<compile_context>
chip_gen: v7x
topology: tpu7x:2x2x1
jax: 0.10.2.dev20260603
libtpu: 0.0.44.dev20260713+nightly
codegen_flags: <defaults>
</compile_context>

<pallas_src>
import functools

import jax
import jax.numpy as jnp
from jax import lax
from jax.experimental import pallas as pl
from jax.experimental.pallas import tpu as pltpu
from jax.experimental.pallas import tpu_sc as plsc

N = 100000
EMB = 64
CHUNK = 128
NC = 2
NS = 16
NW = NC * NS
CH_PER_W = 25
PER_W = CH_PER_W * CHUNK
NPAD = PER_W * NW
NPAIR = NPAD // 2
NBUF = 5
NGRP = CH_PER_W // NBUF


@functools.cache
def _sc_gather():
    mesh = plsc.VectorSubcoreMesh(
        core_axis_name="c", subcore_axis_name="s",
        num_cores=NC, num_subcores=NS)

    @functools.partial(
        pl.kernel,
        out_type=jax.ShapeDtypeStruct((NPAD // CHUNK, CHUNK, EMB), jnp.float32),
        mesh=mesh,
        scratch_types=[
            pltpu.VMEM((PER_W,), jnp.int32),
            pltpu.VMEM((NBUF, CHUNK, EMB), jnp.float32),
            pltpu.SemaphoreType.DMA,
        ],
        compiler_params=pltpu.CompilerParams(use_tc_tiling_on_sc=False),
    )
    def gather(tbl, idx_hbm, out, idx_v, bufs, sem):
        wid = lax.axis_index("s") * NC + lax.axis_index("c")
        base = wid * PER_W
        pltpu.sync_copy(idx_hbm.at[pl.ds(base, PER_W)], idx_v)

        for b in range(NBUF):
            pltpu.async_copy(
                tbl.at[idx_v.at[pl.ds(b * CHUNK, CHUNK)]],
                bufs.at[b], sem)

        def grp(g, carry):
            for b in range(NBUF):
                c = g * NBUF + b
                pltpu.make_async_copy(
                    tbl.at[idx_v.at[pl.ds(0, CHUNK)]],
                    bufs.at[b], sem).wait()
                pltpu.sync_copy(bufs.at[b], out.at[wid * CH_PER_W + c])

                @pl.when(g < NGRP - 1)
                def _():
                    pltpu.async_copy(
                        tbl.at[idx_v.at[pl.ds((c + NBUF) * CHUNK, CHUNK)]],
                        bufs.at[b], sem)
            return carry

        lax.fori_loop(0, NGRP, grp, 0)

    return gather


BLK2 = 2048


def _tc_body(us_ref, vs_ref, bm_ref, bvu_ref, oe_ref, oo_ref):
    u = us_ref[...]
    v = vs_ref[...]
    t = jnp.dot(u, bm_ref[...], preferred_element_type=jnp.float32)
    bvu = bvu_ref[...]
    prod = (t + bvu[0:1, :]) * v + u * bvu[1:2, :]
    oe_ref[...] = jnp.sum(prod[:, :EMB], axis=1)
    oo_ref[...] = jnp.sum(prod[:, EMB:], axis=1)


def kernel(U, V, B, us_ind, vs_ind):
    us_pad = jnp.concatenate(
        [us_ind.astype(jnp.int32), jnp.zeros((NPAD - N,), jnp.int32)])
    vs_pad = jnp.concatenate(
        [vs_ind.astype(jnp.int32), jnp.zeros((NPAD - N,), jnp.int32)])

    us3 = _sc_gather()(U, us_pad)
    vs3 = _sc_gather()(V, vs_pad)
    us2 = us3.reshape(NPAIR, 2 * EMB)
    vs2 = vs3.reshape(NPAIR, 2 * EMB)

    b00 = B[:EMB, :EMB]
    bm = (jnp.zeros((2 * EMB, 2 * EMB), jnp.float32)
          .at[:EMB, :EMB].set(b00)
          .at[EMB:, EMB:].set(b00))
    bvu = jnp.concatenate([
        jnp.tile(B[EMB, :EMB], 2)[None, :],
        jnp.tile(B[:EMB, EMB], 2)[None, :],
    ], axis=0)

    oe, oo = pl.pallas_call(
        _tc_body,
        grid=(NPAIR // BLK2,),
        in_specs=[
            pl.BlockSpec((BLK2, 2 * EMB), lambda i: (i, 0)),
            pl.BlockSpec((BLK2, 2 * EMB), lambda i: (i, 0)),
            pl.BlockSpec((2 * EMB, 2 * EMB), lambda i: (0, 0)),
            pl.BlockSpec((2, 2 * EMB), lambda i: (0, 0)),
        ],
        out_specs=[
            pl.BlockSpec((BLK2,), lambda i: (i,)),
            pl.BlockSpec((BLK2,), lambda i: (i,)),
        ],
        out_shape=[
            jax.ShapeDtypeStruct((NPAIR,), jnp.float32),
            jax.ShapeDtypeStruct((NPAIR,), jnp.float32),
        ],
    )(us2, vs2, bm, bvu)

    act = jnp.stack([oe, oo], axis=1).reshape(NPAD)[:N] + B[EMB, EMB]
    return act

# --- scband reference (transcript-rebuilt; emitter-appended) ---
"""Pipeline reference for scband-model-torch-2783138808299 (READ-ONLY COPY).

The authoritative reference and input builder live on the scoring server;
editing this copy changes nothing except your own understanding.
"""

import jax, jax.numpy as jnp
import numpy as np

VOCAB = 1000000
EMB = 64
N = 100000
BSIZE = EMB + 1  # lin=True adds bias column


def setup_inputs(seed: int = 0) -> dict:
    key = jax.random.key(seed)
    k1, k2, k3, k4, k5 = jax.random.split(key, 5)
    us_ind = jax.random.randint(k1, (N,), 0, VOCAB)
    vs_ind = jax.random.randint(k2, (N,), 0, VOCAB)
    U = jax.random.normal(k3, (VOCAB, EMB), dtype=jnp.float32) * 0.01
    V = jax.random.normal(k4, (VOCAB, EMB), dtype=jnp.float32) * 0.01
    B = jax.random.normal(k5, (BSIZE, BSIZE), dtype=jnp.float32) * 0.001
    return {"U": U, "V": V, "B": B, "us_ind": us_ind, "vs_ind": vs_ind}


def reference(U, V, B, us_ind, vs_ind):
    # lin=True path of ModelTorch.forward with r_ind selecting relation matrix B
    ones = jnp.ones((U.shape[0], 1), dtype=U.dtype)
    U1 = jnp.concatenate([U, ones], axis=1)
    V1 = jnp.concatenate([V, ones], axis=1)
    Us = jnp.take(U1, us_ind, axis=0)
    Vs = jnp.take(V1, vs_ind, axis=0)
    act = jnp.sum((Us @ B) * Vs, axis=1)
    return act

if __name__ == "__main__":
    import jax
    _d = setup_inputs()
    print(jax.jit(kernel)(*tuple(_d.values())))

</pallas_src>

<mosaic_0001>
#map = affine_map<(d0, d1) -> (0, 0)>
#map1 = affine_map<(d0, d1) -> (0)>
#map2 = affine_map<(d0, d1) -> (0, 0, 0)>
module attributes {stable_mosaic.version = 14 : i64} {
  func.func @gather(%arg0: i32, %arg1: i32, %arg2: memref<1000000x64xf32, #tpu.memory_space<hbm>>, %arg3: memref<102400xi32, #tpu.memory_space<hbm>>, %arg4: memref<800x128x64xf32, #tpu.memory_space<hbm>>, %arg5: memref<3200xi32, #tpu.memory_space<vmem>>, %arg6: memref<5x128x64xf32, #tpu.memory_space<vmem>>, %arg7: memref<!tpu.dma_semaphore, #tpu.memory_space<semaphore_mem>>) attributes {dimension_semantics = [#tpu.dimension_semantics<core_parallel>, #tpu.dimension_semantics<subcore_parallel>], iteration_bounds = array<i64: 2, 16>, scalar_prefetch = 0 : i64, scratch_operands = 3 : i64, tpu.core_type = #tpu.core_type<sc_vector_subcore>, window_params = [{transform_indices = #map}, {transform_indices = #map1}, {transform_indices = #map2}]} {
    %mul3A = arith.constant 2 : i32
    %mul3A_0 = arith.muli %arg1, %mul3A : i32
    %add3A = arith.addi %mul3A_0, %arg0 : i32
    %mul3A_1 = arith.constant 3200 : i32
    %mul3A_2 = arith.muli %add3A, %mul3A_1 : i32
    "tpu.region"() ({
      %run_scoped3A = tpu.sem_alloc : memref<!tpu.dma_semaphore, #tpu.memory_space<semaphore_mem>>
      %dma_start3A_57 = tpu.memref_slice %arg3[%mul3A_2] : memref<102400xi32, #tpu.memory_space<hbm>> -> memref<3200xi32, #tpu.memory_space<hbm>>
      %dma_start3A_58 = tpu.memref_slice %arg3[%mul3A_2] : memref<102400xi32, #tpu.memory_space<hbm>> -> memref<3200xi32, #tpu.memory_space<hbm>>
      tpu.enqueue_dma source(%dma_start3A_58 : memref<3200xi32, #tpu.memory_space<hbm>>) target(%arg5 : memref<3200xi32, #tpu.memory_space<vmem>>) target_semaphore(%run_scoped3A : memref<!tpu.dma_semaphore, #tpu.memory_space<semaphore_mem>>)
      %dma_wait3A = tpu.memref_slice %arg3[%mul3A_2] : memref<102400xi32, #tpu.memory_space<hbm>> -> memref<3200xi32, #tpu.memory_space<hbm>>
      %dma_wait3A_59 = tpu.memref_slice %arg3[%mul3A_2] : memref<102400xi32, #tpu.memory_space<hbm>> -> memref<3200xi32, #tpu.memory_space<hbm>>
      tpu.wait_dma2 semaphore(%run_scoped3A : memref<!tpu.dma_semaphore, #tpu.memory_space<semaphore_mem>>) src(%dma_wait3A_59 : memref<3200xi32, #tpu.memory_space<hbm>>) dst(%arg5 : memref<3200xi32, #tpu.memory_space<vmem>>)
      tpu.yield
    }) : () -> ()
    %dma_start3A = arith.constant 0 : i32
    %dma_start3A_3 = arith.constant 0 : i32
    %dma_start3A_4 = arith.constant 0 : i32
    %dma_start3A_5 = tpu.memref_slice %arg6[%dma_start3A, %dma_start3A_3, %dma_start3A_4] : memref<5x128x64xf32, #tpu.memory_space<vmem>> -> memref<1x128x64xf32, #tpu.memory_space<vmem>>
    %dma_start3A_6 = tpu.memref_squeeze %dma_start3A_5 : memref<1x128x64xf32, #tpu.memory_space<vmem>> -> memref<128x64xf32, #tpu.memory_space<vmem>>
    %dma_start3A_7 = arith.constant 0 : i32
    %dma_start3A_8 = tpu.memref_slice %arg5[%dma_start3A_7] : memref<3200xi32, #tpu.memory_space<vmem>> -> memref<128xi32, #tpu.memory_space<vmem>>
    %dma_start3A_9 = arith.constant 0 : i32
    %dma_start3A_10 = arith.constant 0 : i32
    %dma_start3A_11 = tpu.memref_slice %arg2[%dma_start3A_9, %dma_start3A_10] : memref<1000000x64xf32, #tpu.memory_space<hbm>> -> memref<1000000x64xf32, #tpu.memory_space<hbm>>
    tpu.enqueue_indirect_dma source(%dma_start3A_11 : memref<1000000x64xf32, #tpu.memory_space<hbm>>) target(%dma_start3A_6 : memref<128x64xf32, #tpu.memory_space<vmem>>) offsets(%dma_start3A_8 : memref<128xi32, #tpu.memory_space<vmem>>) semaphore(%arg7 : memref<!tpu.dma_semaphore, #tpu.memory_space<semaphore_mem>>)
    %dma_start3A_12 = arith.constant 1 : i32
    %dma_start3A_13 = arith.constant 0 : i32
    %dma_start3A_14 = arith.constant 0 : i32
    %dma_start3A_15 = tpu.memref_slice %arg6[%dma_start3A_12, %dma_start3A_13, %dma_start3A_14] : memref<5x128x64xf32, #tpu.memory_space<vmem>> -> memref<1x128x64xf32, #tpu.memory_space<vmem>>
    %dma_start3A_16 = tpu.memref_squeeze %dma_start3A_15 : memref<1x128x64xf32, #tpu.memory_space<vmem>> -> memref<128x64xf32, #tpu.memory_space<vmem>>
    %dma_start3A_17 = arith.constant 128 : i32
    %dma_start3A_18 = tpu.memref_slice %arg5[%dma_start3A_17] : memref<3200xi32, #tpu.memory_space<vmem>> -> memref<128xi32, #tpu.memory_space<vmem>>
    %dma_start3A_19 = arith.constant 0 : i32
    %dma_start3A_20 = arith.constant 0 : i32
    %dma_start3A_21 = tpu.memref_slice %arg2[%dma_start3A_19, %dma_start3A_20] : memref<1000000x64xf32, #tpu.memory_space<hbm>> -> memref<1000000x64xf32, #tpu.memory_space<hbm>>
    tpu.enqueue_indirect_dma source(%dma_start3A_21 : memref<1000000x64xf32, #tpu.memory_space<hbm>>) target(%dma_start3A_16 : memref<128x64xf32, #tpu.memory_space<vmem>>) offsets(%dma_start3A_18 : memref<128xi32, #tpu.memory_space<vmem>>) semaphore(%arg7 : memref<!tpu.dma_semaphore, #tpu.memory_space<semaphore_mem>>)
    %dma_start3A_22 = arith.constant 2 : i32
    %dma_start3A_23 = arith.constant 0 : i32
    %dma_start3A_24 = arith.constant 0 : i32
    %dma_start3A_25 = tpu.memref_slice %arg6[%dma_start3A_22, %dma_start3A_23, %dma_start3A_24] : memref<5x128x64xf32, #tpu.memory_space<vmem>> -> memref<1x128x64xf32, #tpu.memory_space<vmem>>
    %dma_start3A_26 = tpu.memref_squeeze %dma_start3A_25 : memref<1x128x64xf32, #tpu.memory_space<vmem>> -> memref<128x64xf32, #tpu.memory_space<vmem>>
    %dma_start3A_27 = arith.constant 256 : i32
    %dma_start3A_28 = tpu.memref_slice %arg5[%dma_start3A_27] : memref<3200xi32, #tpu.memory_space<vmem>> -> memref<128xi32, #tpu.memory_space<vmem>>
    %dma_start3A_29 = arith.constant 0 : i32
    %dma_start3A_30 = arith.constant 0 : i32
    %dma_start3A_31 = tpu.memref_slice %arg2[%dma_start3A_29, %dma_start3A_30] : memref<1000000x64xf32, #tpu.memory_space<hbm>> -> memref<1000000x64xf32, #tpu.memory_space<hbm>>
    tpu.enqueue_indirect_dma source(%dma_start3A_31 : memref<1000000x64xf32, #tpu.memory_space<hbm>>) target(%dma_start3A_26 : memref<128x64xf32, #tpu.memory_space<vmem>>) offsets(%dma_start3A_28 : memref<128xi32, #tpu.memory_space<vmem>>) semaphore(%arg7 : memref<!tpu.dma_semaphore, #tpu.memory_space<semaphore_mem>>)
    %dma_start3A_32 = arith.constant 3 : i32
    %dma_start3A_33 = arith.constant 0 : i32
    %dma_start3A_34 = arith.constant 0 : i32
    %dma_start3A_35 = tpu.memref_slice %arg6[%dma_start3A_32, %dma_start3A_33, %dma_start3A_34] : memref<5x128x64xf32, #tpu.memory_space<vmem>> -> memref<1x128x64xf32, #tpu.memory_space<vmem>>
    %dma_start3A_36 = tpu.memref_squeeze %dma_start3A_35 : memref<1x128x64xf32, #tpu.memory_space<vmem>> -> memref<128x64xf32, #tpu.memory_space<vmem>>
    %dma_start3A_37 = arith.constant 384 : i32
    %dma_start3A_38 = tpu.memref_slice %arg5[%dma_start3A_37] : memref<3200xi32, #tpu.memory_space<vmem>> -> memref<128xi32, #tpu.memory_space<vmem>>
    %dma_start3A_39 = arith.constant 0 : i32
    %dma_start3A_40 = arith.constant 0 : i32
    %dma_start3A_41 = tpu.memref_slice %arg2[%dma_start3A_39, %dma_start3A_40] : memref<1000000x64xf32, #tpu.memory_space<hbm>> -> memref<1000000x64xf32, #tpu.memory_space<hbm>>
    tpu.enqueue_indirect_dma source(%dma_start3A_41 : memref<1000000x64xf32, #tpu.memory_space<hbm>>) target(%dma_start3A_36 : memref<128x64xf32, #tpu.memory_space<vmem>>) offsets(%dma_start3A_38 : memref<128xi32, #tpu.memory_space<vmem>>) semaphore(%arg7 : memref<!tpu.dma_semaphore, #tpu.memory_space<semaphore_mem>>)
    %dma_start3A_42 = arith.constant 4 : i32
    %dma_start3A_43 = arith.constant 0 : i32
    %dma_start3A_44 = arith.constant 0 : i32
    %dma_start3A_45 = tpu.memref_slice %arg6[%dma_start3A_42, %dma_start3A_43, %dma_start3A_44] : memref<5x128x64xf32, #tpu.memory_space<vmem>> -> memref<1x128x64xf32, #tpu.memory_space<vmem>>
    %dma_start3A_46 = tpu.memref_squeeze %dma_start3A_45 : memref<1x128x64xf32, #tpu.memory_space<vmem>> -> memref<128x64xf32, #tpu.memory_space<vmem>>
    %dma_start3A_47 = arith.constant 512 : i32
    %dma_start3A_48 = tpu.memref_slice %arg5[%dma_start3A_47] : memref<3200xi32, #tpu.memory_space<vmem>> -> memref<128xi32, #tpu.memory_space<vmem>>
    %dma_start3A_49 = arith.constant 0 : i32
    %dma_start3A_50 = arith.constant 0 : i32
    %dma_start3A_51 = tpu.memref_slice %arg2[%dma_start3A_49, %dma_start3A_50] : memref<1000000x64xf32, #tpu.memory_space<hbm>> -> memref<1000000x64xf32, #tpu.memory_space<hbm>>
    tpu.enqueue_indirect_dma source(%dma_start3A_51 : memref<1000000x64xf32, #tpu.memory_space<hbm>>) target(%dma_start3A_46 : memref<128x64xf32, #tpu.memory_space<vmem>>) offsets(%dma_start3A_48 : memref<128xi32, #tpu.memory_space<vmem>>) semaphore(%arg7 : memref<!tpu.dma_semaphore, #tpu.memory_space<semaphore_mem>>)
    %scan3A = arith.constant 0 : i32
    %scan3A_52 = arith.constant 0 : i32
    %scan3A_53 = arith.constant 5 : i32
    %scan3A_54 = arith.addi %scan3A_52, %scan3A_53 : i32
    %scan3A_55 = arith.constant 1 : i32
    scf.for %scan3A_57 = %scan3A_52 to %scan3A_54 step %scan3A_55  : i32 {
      %mul3A_58 = arith.constant 5 : i32
      %mul3A_59 = arith.muli %scan3A_57, %mul3A_58 : i32
      %add3A_60 = arith.constant 0 : i32
      %add3A_61 = arith.addi %mul3A_59, %add3A_60 : i32
      %dma_wait3A = arith.constant 0 : i32
      %dma_wait3A_62 = arith.constant 0 : i32
      %dma_wait3A_63 = arith.constant 0 : i32
      %dma_wait3A_64 = tpu.memref_slice %arg6[%dma_wait3A, %dma_wait3A_62, %dma_wait3A_63] : memref<5x128x64xf32, #tpu.memory_space<vmem>> -> memref<1x128x64xf32, #tpu.memory_space<vmem>>
      %dma_wait3A_65 = tpu.memref_squeeze %dma_wait3A_64 : memref<1x128x64xf32, #tpu.memory_space<vmem>> -> memref<128x64xf32, #tpu.memory_space<vmem>>
      %dma_wait3A_66 = arith.constant 0 : i32
      %dma_wait3A_67 = tpu.memref_slice %arg5[%dma_wait3A_66] : memref<3200xi32, #tpu.memory_space<vmem>> -> memref<128xi32, #tpu.memory_space<vmem>>
      %dma_wait3A_68 = arith.constant 0 : i32
      %dma_wait3A_69 = arith.constant 0 : i32
      %dma_wait3A_70 = tpu.memref_slice %arg2[%dma_wait3A_68, %dma_wait3A_69] : memref<1000000x64xf32, #tpu.memory_space<hbm>> -> memref<1000000x64xf32, #tpu.memory_space<hbm>>
      tpu.wait_indirect_dma semaphore(%arg7 : memref<!tpu.dma_semaphore, #tpu.memory_space<semaphore_mem>>) src(%dma_wait3A_70 : memref<1000000x64xf32, #tpu.memory_space<hbm>>) dst(%dma_wait3A_65 : memref<128x64xf32, #tpu.memory_space<vmem>>)
      %mul3A_71 = arith.constant 25 : i32
      %mul3A_72 = arith.muli %add3A, %mul3A_71 : i32
      %add3A_73 = arith.addi %mul3A_72, %add3A_61 : i32
      %run_scoped3A = arith.constant 0 : i32
      "tpu.region"() ({
        %run_scoped3A_168 = tpu.sem_alloc : memref<!tpu.dma_semaphore, #tpu.memory_space<semaphore_mem>>
        %dma_start3A_169 = arith.constant 0 : i32
        %dma_start3A_170 = arith.constant 0 : i32
        %dma_start3A_171 = tpu.memref_slice %arg6[%run_scoped3A, %dma_start3A_169, %dma_start3A_170] : memref<5x128x64xf32, #tpu.memory_space<vmem>> -> memref<1x128x64xf32, #tpu.memory_space<vmem>>
        %dma_start3A_172 = tpu.memref_squeeze %dma_start3A_171 : memref<1x128x64xf32, #tpu.memory_space<vmem>> -> memref<128x64xf32, #tpu.memory_space<vmem>>
        %dma_start3A_173 = arith.constant 0 : i32
        %dma_start3A_174 = arith.constant 0 : i32
        %dma_start3A_175 = tpu.memref_slice %arg4[%add3A_73, %dma_start3A_173, %dma_start3A_174] : memref<800x128x64xf32, #tpu.memory_space<hbm>> -> memref<1x128x64xf32, #tpu.memory_space<hbm>>
        %dma_start3A_176 = tpu.memref_squeeze %dma_start3A_175 : memref<1x128x64xf32, #tpu.memory_space<hbm>> -> memref<128x64xf32, #tpu.memory_space<hbm>>
        %dma_start3A_177 = arith.constant 0 : i32
        %dma_start3A_178 = arith.constant 0 : i32
        %dma_start3A_179 = tpu.memref_slice %arg4[%add3A_73, %dma_start3A_177, %dma_start3A_178] : memref<800x128x64xf32, #tpu.memory_space<hbm>> -> memref<1x128x64xf32, #tpu.memory_space<hbm>>
        %dma_start3A_180 = tpu.memref_squeeze %dma_start3A_179 : memref<1x128x64xf32, #tpu.memory_space<hbm>> -> memref<128x64xf32, #tpu.memory_space<hbm>>
        %dma_start3A_181 = arith.constant 0 : i32
        %dma_start3A_182 = arith.constant 0 : i32
        %dma_start3A_183 = tpu.memref_slice %arg6[%run_scoped3A, %dma_start3A_181, %dma_start3A_182] : memref<5x128x64xf32, #tpu.memory_space<vmem>> -> memref<1x128x64xf32, #tpu.memory_space<vmem>>
        %dma_start3A_184 = tpu.memref_squeeze %dma_start3A_183 : memref<1x128x64xf32, #tpu.memory_space<vmem>> -> memref<128x64xf32, #tpu.memory_space<vmem>>
        tpu.enqueue_dma source(%dma_start3A_184 : memref<128x64xf32, #tpu.memory_space<vmem>>) target(%dma_start3A_180 : memref<128x64xf32, #tpu.memory_space<hbm>>) target_semaphore(%run_scoped3A_168 : memref<!tpu.dma_semaphore, #tpu.memory_space<semaphore_mem>>)
        %dma_wait3A_185 = arith.constant 0 : i32
        %dma_wait3A_186 = arith.constant 0 : i32
        %dma_wait3A_187 = tpu.memref_slice %arg6[%run_scoped3A, %dma_wait3A_185, %dma_wait3A_186] : memref<5x128x64xf32, #tpu.memory_space<vmem>> -> memref<1x128x64xf32, #tpu.memory_space<vmem>>
        %dma_wait3A_188 = tpu.memref_squeeze %dma_wait3A_187 : memref<1x128x64xf32, #tpu.memory_space<vmem>> -> memref<128x64xf32, #tpu.memory_space<vmem>>
        %dma_wait3A_189 = arith.constant 0 : i32
        %dma_wait3A_190 = arith.constant 0 : i32
        %dma_wait3A_191 = tpu.memref_slice %arg4[%add3A_73, %dma_wait3A_189, %dma_wait3A_190] : memref<800x128x64xf32, #tpu.memory_space<hbm>> -> memref<1x128x64xf32, #tpu.memory_space<hbm>>
        %dma_wait3A_192 = tpu.memref_squeeze %dma_wait3A_191 : memref<1x128x64xf32, #tpu.memory_space<hbm>> -> memref<128x64xf32, #tpu.memory_space<hbm>>
        %dma_wait3A_193 = arith.constant 0 : i32
        %dma_wait3A_194 = arith.constant 0 : i32
        %dma_wait3A_195 = tpu.memref_slice %arg4[%add3A_73, %dma_wait3A_193, %dma_wait3A_194] : memref<800x128x64xf32, #tpu.memory_space<hbm>> -> memref<1x128x64xf32, #tpu.memory_space<hbm>>
        %dma_wait3A_196 = tpu.memref_squeeze %dma_wait3A_195 : memref<1x128x64xf32, #tpu.memory_space<hbm>> -> memref<128x64xf32, #tpu.memory_space<hbm>>
        %dma_wait3A_197 = arith.constant 0 : i32
        %dma_wait3A_198 = arith.constant 0 : i32
        %dma_wait3A_199 = tpu.memref_slice %arg6[%run_scoped3A, %dma_wait3A_197, %dma_wait3A_198] : memref<5x128x64xf32, #tpu.memory_space<vmem>> -> memref<1x128x64xf32, #tpu.memory_space<vmem>>
        %dma_wait3A_200 = tpu.memref_squeeze %dma_wait3A_199 : memref<1x128x64xf32, #tpu.memory_space<vmem>> -> memref<128x64xf32, #tpu.memory_space<vmem>>
        tpu.wait_dma2 semaphore(%run_scoped3A_168 : memref<!tpu.dma_semaphore, #tpu.memory_space<semaphore_mem>>) src(%dma_wait3A_200 : memref<128x64xf32, #tpu.memory_space<vmem>>) dst(%dma_wait3A_196 : memref<128x64xf32, #tpu.memory_space<hbm>>)
        tpu.yield
      }) : () -> ()
      %lt3A = arith.constant 4 : i32
      %lt3A_74 = arith.cmpi slt, %scan3A_57, %lt3A : i32
      %convert_element_type3A = arith.extui %lt3A_74 : i1 to i32
      %cond3A = arith.constant 0 : i32
      %cond3A_75 = arith.cmpi ne, %convert_element_type3A, %cond3A : i32
      scf.if %cond3A_75 {
        %add3A_168 = arith.constant 5 : i32
        %add3A_169 = arith.addi %add3A_61, %add3A_168 : i32
        %mul3A_170 = arith.constant 128 : i32
        %mul3A_171 = arith.muli %add3A_169, %mul3A_170 : i32
        %dma_start3A_172 = arith.constant 0 : i32
        %dma_start3A_173 = arith.constant 0 : i32
        %dma_start3A_174 = arith.constant 0 : i32
        %dma_start3A_175 = tpu.memref_slice %arg6[%dma_start3A_172, %dma_start3A_173, %dma_start3A_174] : memref<5x128x64xf32, #tpu.memory_space<vmem>> -> memref<1x128x64xf32, #tpu.memory_space<vmem>>
        %dma_start3A_176 = tpu.memref_squeeze %dma_start3A_175 : memref<1x128x64xf32, #tpu.memory_space<vmem>> -> memref<128x64xf32, #tpu.memory_space<vmem>>
        %dma_start3A_177 = tpu.memref_slice %arg5[%mul3A_171] : memref<3200xi32, #tpu.memory_space<vmem>> -> memref<128xi32, #tpu.memory_space<vmem>>
        %dma_start3A_178 = arith.constant 0 : i32
        %dma_start3A_179 = arith.constant 0 : i32
        %dma_start3A_180 = tpu.memref_slice %arg2[%dma_start3A_178, %dma_start3A_179] : memref<1000000x64xf32, #tpu.memory_space<hbm>> -> memref<1000000x64xf32, #tpu.memory_space<hbm>>
        tpu.enqueue_indirect_dma source(%dma_start3A_180 : memref<1000000x64xf32, #tpu.memory_space<hbm>>) target(%dma_start3A_176 : memref<128x64xf32, #tpu.memory_space<vmem>>) offsets(%dma_start3A_177 : memref<128xi32, #tpu.memory_space<vmem>>) semaphore(%arg7 : memref<!tpu.dma_semaphore, #tpu.memory_space<semaphore_mem>>)
      } else {
      }
      %mul3A_76 = arith.constant 5 : i32
      %mul3A_77 = arith.muli %scan3A_57, %mul3A_76 : i32
      %add3A_78 = arith.constant 1 : i32
      %add3A_79 = arith.addi %mul3A_77, %add3A_78 : i32
      %dma_wait3A_80 = arith.constant 1 : i32
      %dma_wait3A_81 = arith.constant 0 : i32
      %dma_wait3A_82 = arith.constant 0 : i32
      %dma_wait3A_83 = tpu.memref_slice %arg6[%dma_wait3A_80, %dma_wait3A_81, %dma_wait3A_82] : memref<5x128x64xf32, #tpu.memory_space<vmem>> -> memref<1x128x64xf32, #tpu.memory_space<vmem>>
      %dma_wait3A_84 = tpu.memref_squeeze %dma_wait3A_83 : memref<1x128x64xf32, #tpu.memory_space<vmem>> -> memref<128x64xf32, #tpu.memory_space<vmem>>
      %dma_wait3A_85 = arith.constant 0 : i32
      %dma_wait3A_86 = tpu.memref_slice %arg5[%dma_wait3A_85] : memref<3200xi32, #tpu.memory_space<vmem>> -> memref<128xi32, #tpu.memory_space<vmem>>
      %dma_wait3A_87 = arith.constant 0 : i32
      %dma_wait3A_88 = arith.constant 0 : i32
      %dma_wait3A_89 = tpu.memref_slice %arg2[%dma_wait3A_87, %dma_wait3A_88] : memref<1000000x64xf32, #tpu.memory_space<hbm>> -> memref<1000000x64xf32, #tpu.memory_space<hbm>>
      tpu.wait_indirect_dma semaphore(%arg7 : memref<!tpu.dma_semaphore, #tpu.memory_space<semaphore_mem>>) src(%dma_wait3A_89 : memref<1000000x64xf32, #tpu.memory_space<hbm>>) dst(%dma_wait3A_84 : memref<128x64xf32, #tpu.memory_space<vmem>>)
      %mul3A_90 = arith.constant 25 : i32
      %mul3A_91 = arith.muli %add3A, %mul3A_90 : i32
      %add3A_92 = arith.addi %mul3A_91, %add3A_79 : i32
      %run_scoped3A_93 = arith.constant 1 : i32
      "tpu.region"() ({
        %run_scoped3A_168 = tpu.sem_alloc : memref<!tpu.dma_semaphore, #tpu.memory_space<semaphore_mem>>
        %dma_start3A_169 = arith.constant 0 : i32
        %dma_start3A_170 = arith.constant 0 : i32
        %dma_start3A_171 = tpu.memref_slice %arg6[%run_scoped3A_93, %dma_start3A_169, %dma_start3A_170] : memref<5x128x64xf32, #tpu.memory_space<vmem>> -> memref<1x128x64xf32, #tpu.memory_space<vmem>>
        %dma_start3A_172 = tpu.memref_squeeze %dma_start3A_171 : memref<1x128x64xf32, #tpu.memory_space<vmem>> -> memref<128x64xf32, #tpu.memory_space<vmem>>
        %dma_start3A_173 = arith.constant 0 : i32
        %dma_start3A_174 = arith.constant 0 : i32
        %dma_start3A_175 = tpu.memref_slice %arg4[%add3A_92, %dma_start3A_173, %dma_start3A_174] : memref<800x128x64xf32, #tpu.memory_space<hbm>> -> memref<1x128x64xf32, #tpu.memory_space<hbm>>
        %dma_start3A_176 = tpu.memref_squeeze %dma_start3A_175 : memref<1x128x64xf32, #tpu.memory_space<hbm>> -> memref<128x64xf32, #tpu.memory_space<hbm>>
        %dma_start3A_177 = arith.constant 0 : i32
        %dma_start3A_178 = arith.constant 0 : i32
        %dma_start3A_179 = tpu.memref_slice %arg4[%add3A_92, %dma_start3A_177, %dma_start3A_178] : memref<800x128x64xf32, #tpu.memory_space<hbm>> -> memref<1x128x64xf32, #tpu.memory_space<hbm>>
        %dma_start3A_180 = tpu.memref_squeeze %dma_start3A_179 : memref<1x128x64xf32, #tpu.memory_space<hbm>> -> memref<128x64xf32, #tpu.memory_space<hbm>>
        %dma_start3A_181 = arith.constant 0 : i32
        %dma_start3A_182 = arith.constant 0 : i32
        %dma_start3A_183 = tpu.memref_slice %arg6[%run_scoped3A_93, %dma_start3A_181, %dma_start3A_182] : memref<5x128x64xf32, #tpu.memory_space<vmem>> -> memref<1x128x64xf32, #tpu.memory_space<vmem>>
        %dma_start3A_184 = tpu.memref_squeeze %dma_start3A_183 : memref<1x128x64xf32, #tpu.memory_space<vmem>> -> memref<128x64xf32, #tpu.memory_space<vmem>>
        tpu.enqueue_dma source(%dma_start3A_184 : memref<128x64xf32, #tpu.memory_space<vmem>>) target(%dma_start3A_180 : memref<128x64xf32, #tpu.memory_space<hbm>>) target_semaphore(%run_scoped3A_168 : memref<!tpu.dma_semaphore, #tpu.memory_space<semaphore_mem>>)
        %dma_wait3A_185 = arith.constant 0 : i32
        %dma_wait3A_186 = arith.constant 0 : i32
        %dma_wait3A_187 = tpu.memref_slice %arg6[%run_scoped3A_93, %dma_wait3A_185, %dma_wait3A_186] : memref<5x128x64xf32, #tpu.memory_space<vmem>> -> memref<1x128x64xf32, #tpu.memory_space<vmem>>
        %dma_wait3A_188 = tpu.memref_squeeze %dma_wait3A_187 : memref<1x128x64xf32, #tpu.memory_space<vmem>> -> memref<128x64xf32, #tpu.memory_space<vmem>>
        %dma_wait3A_189 = arith.constant 0 : i32
        %dma_wait3A_190 = arith.constant 0 : i32
        %dma_wait3A_191 = tpu.memref_slice %arg4[%add3A_92, %dma_wait3A_189, %dma_wait3A_190] : memref<800x128x64xf32, #tpu.memory_space<hbm>> -> memref<1x128x64xf32, #tpu.memory_space<hbm>>
        %dma_wait3A_192 = tpu.memref_squeeze %dma_wait3A_191 : memref<1x128x64xf32, #tpu.memory_space<hbm>> -> memref<128x64xf32, #tpu.memory_space<hbm>>
        %dma_wait3A_193 = arith.constant 0 : i32
        %dma_wait3A_194 = arith.constant 0 : i32
        %dma_wait3A_195 = tpu.memref_slice %arg4[%add3A_92, %dma_wait3A_193, %dma_wait3A_194] : memref<800x128x64xf32, #tpu.memory_space<hbm>> -> memref<1x128x64xf32, #tpu.memory_space<hbm>>
        %dma_wait3A_196 = tpu.memref_squeeze %dma_wait3A_195 : memref<1x128x64xf32, #tpu.memory_space<hbm>> -> memref<128x64xf32, #tpu.memory_space<hbm>>
        %dma_wait3A_197 = arith.constant 0 : i32
        %dma_wait3A_198 = arith.constant 0 : i32
        %dma_wait3A_199 = tpu.memref_slice %arg6[%run_scoped3A_93, %dma_wait3A_197, %dma_wait3A_198] : memref<5x128x64xf32, #tpu.memory_space<vmem>> -> memref<1x128x64xf32, #tpu.memory_space<vmem>>
        %dma_wait3A_200 = tpu.memref_squeeze %dma_wait3A_199 : memref<1x128x64xf32, #tpu.memory_space<vmem>> -> memref<128x64xf32, #tpu.memory_space<vmem>>
        tpu.wait_dma2 semaphore(%run_scoped3A_168 : memref<!tpu.dma_semaphore, #tpu.memory_space<semaphore_mem>>) src(%dma_wait3A_200 : memref<128x64xf32, #tpu.memory_space<vmem>>) dst(%dma_wait3A_196 : memref<128x64xf32, #tpu.memory_space<hbm>>)
        tpu.yield
      }) : () -> ()
      %lt3A_94 = arith.constant 4 : i32
      %lt3A_95 = arith.cmpi slt, %scan3A_57, %lt3A_94 : i32
      %convert_element_type3A_96 = arith.extui %lt3A_95 : i1 to i32
      %cond3A_97 = arith.constant 0 : i32
      %cond3A_98 = arith.cmpi ne, %convert_element_type3A_96, %cond3A_97 : i32
      scf.if %cond3A_98 {
        %add3A_168 = arith.constant 5 : i32
        %add3A_169 = arith.addi %add3A_79, %add3A_168 : i32
        %mul3A_170 = arith.constant 128 : i32
        %mul3A_171 = arith.muli %add3A_169, %mul3A_170 : i32
        %dma_start3A_172 = arith.constant 1 : i32
        %dma_start3A_173 = arith.constant 0 : i32
        %dma_start3A_174 = arith.constant 0 : i32
        %dma_start3A_175 = tpu.memref_slice %arg6[%dma_start3A_172, %dma_start3A_173, %dma_start3A_174] : memref<5x128x64xf32, #tpu.memory_space<vmem>> -> memref<1x128x64xf32, #tpu.memory_space<vmem>>
        %dma_start3A_176 = tpu.memref_squeeze %dma_start3A_175 : memref<1x128x64xf32, #tpu.memory_space<vmem>> -> memref<128x64xf32, #tpu.memory_space<vmem>>
        %dma_start3A_177 = tpu.memref_slice %arg5[%mul3A_171] : memref<3200xi32, #tpu.memory_space<vmem>> -> memref<128xi32, #tpu.memory_space<vmem>>
        %dma_start3A_178 = arith.constant 0 : i32
        %dma_start3A_179 = arith.constant 0 : i32
        %dma_start3A_180 = tpu.memref_slice %arg2[%dma_start3A_178, %dma_start3A_179] : memref<1000000x64xf32, #tpu.memory_space<hbm>> -> memref<1000000x64xf32, #tpu.memory_space<hbm>>
        tpu.enqueue_indirect_dma source(%dma_start3A_180 : memref<1000000x64xf32, #tpu.memory_space<hbm>>) target(%dma_start3A_176 : memref<128x64xf32, #tpu.memory_space<vmem>>) offsets(%dma_start3A_177 : memref<128xi32, #tpu.memory_space<vmem>>) semaphore(%arg7 : memref<!tpu.dma_semaphore, #tpu.memory_space<semaphore_mem>>)
      } else {
      }
      %mul3A_99 = arith.constant 5 : i32
      %mul3A_100 = arith.muli %scan3A_57, %mul3A_99 : i32
      %add3A_101 = arith.constant 2 : i32
      %add3A_102 = arith.addi %mul3A_100, %add3A_101 : i32
      %dma_wait3A_103 = arith.constant 2 : i32
      %dma_wait3A_104 = arith.constant 0 : i32
      %dma_wait3A_105 = arith.constant 0 : i32
      %dma_wait3A_106 = tpu.memref_slice %arg6[%dma_wait3A_103, %dma_wait3A_104, %dma_wait3A_105] : memref<5x128x64xf32, #tpu.memory_space<vmem>> -> memref<1x128x64xf32, #tpu.memory_space<vmem>>
      %dma_wait3A_107 = tpu.memref_squeeze %dma_wait3A_106 : memref<1x128x64xf32, #tpu.memory_space<vmem>> -> memref<128x64xf32, #tpu.memory_space<vmem>>
      %dma_wait3A_108 = arith.constant 0 : i32
      %dma_wait3A_109 = tpu.memref_slice %arg5[%dma_wait3A_108] : memref<3200xi32, #tpu.memory_space<vmem>> -> memref<128xi32, #tpu.memory_space<vmem>>
      %dma_wait3A_110 = arith.constant 0 : i32
      %dma_wait3A_111 = arith.constant 0 : i32
      %dma_wait3A_112 = tpu.memref_slice %arg2[%dma_wait3A_110, %dma_wait3A_111] : memref<1000000x64xf32, #tpu.memory_space<hbm>> -> memref<1000000x64xf32, #tpu.memory_space<hbm>>
      tpu.wait_indirect_dma semaphore(%arg7 : memref<!tpu.dma_semaphore, #tpu.memory_space<semaphore_mem>>) src(%dma_wait3A_112 : memref<1000000x64xf32, #tpu.memory_space<hbm>>) dst(%dma_wait3A_107 : memref<128x64xf32, #tpu.memory_space<vmem>>)
      %mul3A_113 = arith.constant 25 : i32
      %mul3A_114 = arith.muli %add3A, %mul3A_113 : i32
      %add3A_115 = arith.addi %mul3A_114, %add3A_102 : i32
      %run_scoped3A_116 = arith.constant 2 : i32
      "tpu.region"() ({
        %run_scoped3A_168 = tpu.sem_alloc : memref<!tpu.dma_semaphore, #tpu.memory_space<semaphore_mem>>
        %dma_start3A_169 = arith.constant 0 : i32
        %dma_start3A_170 = arith.constant 0 : i32
        %dma_start3A_171 = tpu.memref_slice %arg6[%run_scoped3A_116, %dma_start3A_169, %dma_start3A_170] : memref<5x128x64xf32, #tpu.memory_space<vmem>> -> memref<1x128x64xf32, #tpu.memory_space<vmem>>
        %dma_start3A_172 = tpu.memref_squeeze %dma_start3A_171 : memref<1x128x64xf32, #tpu.memory_space<vmem>> -> memref<128x64xf32, #tpu.memory_space<vmem>>
        %dma_start3A_173 = arith.constant 0 : i32
        %dma_start3A_174 = arith.constant 0 : i32
        %dma_start3A_175 = tpu.memref_slice %arg4[%add3A_115, %dma_start3A_173, %dma_start3A_174] : memref<800x128x64xf32, #tpu.memory_space<hbm>> -> memref<1x128x64xf32, #tpu.memory_space<hbm>>
        %dma_start3A_176 = tpu.memref_squeeze %dma_start3A_175 : memref<1x128x64xf32, #tpu.memory_space<hbm>> -> memref<128x64xf32, #tpu.memory_space<hbm>>
        %dma_start3A_177 = arith.constant 0 : i32
        %dma_start3A_178 = arith.constant 0 : i32
        %dma_start3A_179 = tpu.memref_slice %arg4[%add3A_115, %dma_start3A_177, %dma_start3A_178] : memref<800x128x64xf32, #tpu.memory_space<hbm>> -> memref<1x128x64xf32, #tpu.memory_space<hbm>>
        %dma_start3A_180 = tpu.memref_squeeze %dma_start3A_179 : memref<1x128x64xf32, #tpu.memory_space<hbm>> -> memref<128x64xf32, #tpu.memory_space<hbm>>
        %dma_start3A_181 = arith.constant 0 : i32
        %dma_start3A_182 = arith.constant 0 : i32
        %dma_start3A_183 = tpu.memref_slice %arg6[%run_scoped3A_116, %dma_start3A_181, %dma_start3A_182] : memref<5x128x64xf32, #tpu.memory_space<vmem>> -> memref<1x128x64xf32, #tpu.memory_space<vmem>>
        %dma_start3A_184 = tpu.memref_squeeze %dma_start3A_183 : memref<1x128x64xf32, #tpu.memory_space<vmem>> -> memref<128x64xf32, #tpu.memory_space<vmem>>
        tpu.enqueue_dma source(%dma_start3A_184 : memref<128x64xf32, #tpu.memory_space<vmem>>) target(%dma_start3A_180 : memref<128x64xf32, #tpu.memory_space<hbm>>) target_semaphore(%run_scoped3A_168 : memref<!tpu.dma_semaphore, #tpu.memory_space<semaphore_mem>>)
        %dma_wait3A_185 = arith.constant 0 : i32
        %dma_wait3A_186 = arith.constant 0 : i32
        %dma_wait3A_187 = tpu.memref_slice %arg6[%run_scoped3A_116, %dma_wait3A_185, %dma_wait3A_186] : memref<5x128x64xf32, #tpu.memory_space<vmem>> -> memref<1x128x64xf32, #tpu.memory_space<vmem>>
        %dma_wait3A_188 = tpu.memref_squeeze %dma_wait3A_187 : memref<1x128x64xf32, #tpu.memory_space<vmem>> -> memref<128x64xf32, #tpu.memory_space<vmem>>
        %dma_wait3A_189 = arith.constant 0 : i32
        %dma_wait3A_190 = arith.constant 0 : i32
        %dma_wait3A_191 = tpu.memref_slice %arg4[%add3A_115, %dma_wait3A_189, %dma_wait3A_190] : memref<800x128x64xf32, #tpu.memory_space<hbm>> -> memref<1x128x64xf32, #tpu.memory_space<hbm>>
        %dma_wait3A_192 = tpu.memref_squeeze %dma_wait3A_191 : memref<1x128x64xf32, #tpu.memory_space<hbm>> -> memref<128x64xf32, #tpu.memory_space<hbm>>
        %dma_wait3A_193 = arith.constant 0 : i32
        %dma_wait3A_194 = arith.constant 0 : i32
        %dma_wait3A_195 = tpu.memref_slice %arg4[%add3A_115, %dma_wait3A_193, %dma_wait3A_194] : memref<800x128x64xf32, #tpu.memory_space<hbm>> -> memref<1x128x64xf32, #tpu.memory_space<hbm>>
        %dma_wait3A_196 = tpu.memref_squeeze %dma_wait3A_195 : memref<1x128x64xf32, #tpu.memory_space<hbm>> -> memref<128x64xf32, #tpu.memory_space<hbm>>
        %dma_wait3A_197 = arith.constant 0 : i32
        %dma_wait3A_198 = arith.constant 0 : i32
        %dma_wait3A_199 = tpu.memref_slice %arg6[%run_scoped3A_116, %dma_wait3A_197, %dma_wait3A_198] : memref<5x128x64xf32, #tpu.memory_space<vmem>> -> memref<1x128x64xf32, #tpu.memory_space<vmem>>
        %dma_wait3A_200 = tpu.memref_squeeze %dma_wait3A_199 : memref<1x128x64xf32, #tpu.memory_space<vmem>> -> memref<128x64xf32, #tpu.memory_space<vmem>>
        tpu.wait_dma2 semaphore(%run_scoped3A_168 : memref<!tpu.dma_semaphore, #tpu.memory_space<semaphore_mem>>) src(%dma_wait3A_200 : memref<128x64xf32, #tpu.memory_space<vmem>>) dst(%dma_wait3A_196 : memref<128x64xf32, #tpu.memory_space<hbm>>)
        tpu.yield
      }) : () -> ()
      %lt3A_117 = arith.constant 4 : i32
      %lt3A_118 = arith.cmpi slt, %scan3A_57, %lt3A_117 : i32
      %convert_element_type3A_119 = arith.extui %lt3A_118 : i1 to i32
      %cond3A_120 = arith.constant 0 : i32
      %cond3A_121 = arith.cmpi ne, %convert_element_type3A_119, %cond3A_120 : i32
      scf.if %cond3A_121 {
        %add3A_168 = arith.constant 5 : i32
        %add3A_169 = arith.addi %add3A_102, %add3A_168 : i32
        %mul3A_170 = arith.constant 128 : i32
        %mul3A_171 = arith.muli %add3A_169, %mul3A_170 : i32
        %dma_start3A_172 = arith.constant 2 : i32
        %dma_start3A_173 = arith.constant 0 : i32
        %dma_start3A_174 = arith.constant 0 : i32
        %dma_start3A_175 = tpu.memref_slice %arg6[%dma_start3A_172, %dma_start3A_173, %dma_start3A_174] : memref<5x128x64xf32, #tpu.memory_space<vmem>> -> memref<1x128x64xf32, #tpu.memory_space<vmem>>
        %dma_start3A_176 = tpu.memref_squeeze %dma_start3A_175 : memref<1x128x64xf32, #tpu.memory_space<vmem>> -> memref<128x64xf32, #tpu.memory_space<vmem>>
        %dma_start3A_177 = tpu.memref_slice %arg5[%mul3A_171] : memref<3200xi32, #tpu.memory_space<vmem>> -> memref<128xi32, #tpu.memory_space<vmem>>
        %dma_start3A_178 = arith.constant 0 : i32
        %dma_start3A_179 = arith.constant 0 : i32
        %dma_start3A_180 = tpu.memref_slice %arg2[%dma_start3A_178, %dma_start3A_179] : memref<1000000x64xf32, #tpu.memory_space<hbm>> -> memref<1000000x64xf32, #tpu.memory_space<hbm>>
        tpu.enqueue_indirect_dma source(%dma_start3A_180 : memref<1000000x64xf32, #tpu.memory_space<hbm>>) target(%dma_start3A_176 : memref<128x64xf32, #tpu.memory_space<vmem>>) offsets(%dma_start3A_177 : memref<128xi32, #tpu.memory_space<vmem>>) semaphore(%arg7 : memref<!tpu.dma_semaphore, #tpu.memory_space<semaphore_mem>>)
      } else {
      }
      %mul3A_122 = arith.constant 5 : i32
      %mul3A_123 = arith.muli %scan3A_57, %mul3A_122 : i32
      %add3A_124 = arith.constant 3 : i32
      %add3A_125 = arith.addi %mul3A_123, %add3A_124 : i32
      %dma_wait3A_126 = arith.constant 3 : i32
      %dma_wait3A_127 = arith.constant 0 : i32
      %dma_wait3A_128 = arith.constant 0 : i32
      %dma_wait3A_129 = tpu.memref_slice %arg6[%dma_wait3A_126, %dma_wait3A_127, %dma_wait3A_128] : memref<5x128x64xf32, #tpu.memory_space<vmem>> -> memref<1x128x64xf32, #tpu.memory_space<vmem>>
      %dma_wait3A_130 = tpu.memref_squeeze %dma_wait3A_129 : memref<1x128x64xf32, #tpu.memory_space<vmem>> -> memref<128x64xf32, #tpu.memory_space<vmem>>
      %dma_wait3A_131 = arith.constant 0 : i32
      %dma_wait3A_132 = tpu.memref_slice %arg5[%dma_wait3A_131] : memref<3200xi32, #tpu.memory_space<vmem>> -> memref<128xi32, #tpu.memory_space<vmem>>
      %dma_wait3A_133 = arith.constant 0 : i32
      %dma_wait3A_134 = arith.constant 0 : i32
      %dma_wait3A_135 = tpu.memref_slice %arg2[%dma_wait3A_133, %dma_wait3A_134] : memref<1000000x64xf32, #tpu.memory_space<hbm>> -> memref<1000000x64xf32, #tpu.memory_space<hbm>>
      tpu.wait_indirect_dma semaphore(%arg7 : memref<!tpu.dma_semaphore, #tpu.memory_space<semaphore_mem>>) src(%dma_wait3A_135 : memref<1000000x64xf32, #tpu.memory_space<hbm>>) dst(%dma_wait3A_130 : memref<128x64xf32, #tpu.memory_space<vmem>>)
      %mul3A_136 = arith.constant 25 : i32
      %mul3A_137 = arith.muli %add3A, %mul3A_136 : i32
      %add3A_138 = arith.addi %mul3A_137, %add3A_125 : i32
      %run_scoped3A_139 = arith.constant 3 : i32
      "tpu.region"() ({
        %run_scoped3A_168 = tpu.sem_alloc : memref<!tpu.dma_semaphore, #tpu.memory_space<semaphore_mem>>
        %dma_start3A_169 = arith.constant 0 : i32
        %dma_start3A_170 = arith.constant 0 : i32
        %dma_start3A_171 = tpu.memref_slice %arg6[%run_scoped3A_139, %dma_start3A_169, %dma_start3A_170] : memref<5x128x64xf32, #tpu.memory_space<vmem>> -> memref<1x128x64xf32, #tpu.memory_space<vmem>>
        %dma_start3A_172 = tpu.memref_squeeze %dma_start3A_171 : memref<1x128x64xf32, #tpu.memory_space<vmem>> -> memref<128x64xf32, #tpu.memory_space<vmem>>
        %dma_start3A_173 = arith.constant 0 : i32
        %dma_start3A_174 = arith.constant 0 : i32
        %dma_start3A_175 = tpu.memref_slice %arg4[%add3A_138, %dma_start3A_173, %dma_start3A_174] : memref<800x128x64xf32, #tpu.memory_space<hbm>> -> memref<1x128x64xf32, #tpu.memory_space<hbm>>
        %dma_start3A_176 = tpu.memref_squeeze %dma_start3A_175 : memref<1x128x64xf32, #tpu.memory_space<hbm>> -> memref<128x64xf32, #tpu.memory_space<hbm>>
        %dma_start3A_177 = arith.constant 0 : i32
        %dma_start3A_178 = arith.constant 0 : i32
        %dma_start3A_179 = tpu.memref_slice %arg4[%add3A_138, %dma_start3A_177, %dma_start3A_178] : memref<800x128x64xf32, #tpu.memory_space<hbm>> -> memref<1x128x64xf32, #tpu.memory_space<hbm>>
        %dma_start3A_180 = tpu.memref_squeeze %dma_start3A_179 : memref<1x128x64xf32, #tpu.memory_space<hbm>> -> memref<128x64xf32, #tpu.memory_space<hbm>>
        %dma_start3A_181 = arith.constant 0 : i32
        %dma_start3A_182 = arith.constant 0 : i32
        %dma_start3A_183 = tpu.memref_slice %arg6[%run_scoped3A_139, %dma_start3A_181, %dma_start3A_182] : memref<5x128x64xf32, #tpu.memory_space<vmem>> -> memref<1x128x64xf32, #tpu.memory_space<vmem>>
        %dma_start3A_184 = tpu.memref_squeeze %dma_start3A_183 : memref<1x128x64xf32, #tpu.memory_space<vmem>> -> memref<128x64xf32, #tpu.memory_space<vmem>>
        tpu.enqueue_dma source(%dma_start3A_184 : memref<128x64xf32, #tpu.memory_space<vmem>>) target(%dma_start3A_180 : memref<128x64xf32, #tpu.memory_space<hbm>>) target_semaphore(%run_scoped3A_168 : memref<!tpu.dma_semaphore, #tpu.memory_space<semaphore_mem>>)
        %dma_wait3A_185 = arith.constant 0 : i32
        %dma_wait3A_186 = arith.constant 0 : i32
        %dma_wait3A_187 = tpu.memref_slice %arg6[%run_scoped3A_139, %dma_wait3A_185, %dma_wait3A_186] : memref<5x128x64xf32, #tpu.memory_space<vmem>> -> memref<1x128x64xf32, #tpu.memory_space<vmem>>
        %dma_wait3A_188 = tpu.memref_squeeze %dma_wait3A_187 : memref<1x128x64xf32, #tpu.memory_space<vmem>> -> memref<128x64xf32, #tpu.memory_space<vmem>>
        %dma_wait3A_189 = arith.constant 0 : i32
        %dma_wait3A_190 = arith.constant 0 : i32
        %dma_wait3A_191 = tpu.memref_slice %arg4[%add3A_138, %dma_wait3A_189, %dma_wait3A_190] : memref<800x128x64xf32, #tpu.memory_space<hbm>> -> memref<1x128x64xf32, #tpu.memory_space<hbm>>
        %dma_wait3A_192 = tpu.memref_squeeze %dma_wait3A_191 : memref<1x128x64xf32, #tpu.memory_space<hbm>> -> memref<128x64xf32, #tpu.memory_space<hbm>>
        %dma_wait3A_193 = arith.constant 0 : i32
        %dma_wait3A_194 = arith.constant 0 : i32
        %dma_wait3A_195 = tpu.memref_slice %arg4[%add3A_138, %dma_wait3A_193, %dma_wait3A_194] : memref<800x128x64xf32, #tpu.memory_space<hbm>> -> memref<1x128x64xf32, #tpu.memory_space<hbm>>
        %dma_wait3A_196 = tpu.memref_squeeze %dma_wait3A_195 : memref<1x128x64xf32, #tpu.memory_space<hbm>> -> memref<128x64xf32, #tpu.memory_space<hbm>>
        %dma_wait3A_197 = arith.constant 0 : i32
        %dma_wait3A_198 = arith.constant 0 : i32
        %dma_wait3A_199 = tpu.memref_slice %arg6[%run_scoped3A_139, %dma_wait3A_197, %dma_wait3A_198] : memref<5x128x64xf32, #tpu.memory_space<vmem>> -> memref<1x128x64xf32, #tpu.memory_space<vmem>>
        %dma_wait3A_200 = tpu.memref_squeeze %dma_wait3A_199 : memref<1x128x64xf32, #tpu.memory_space<vmem>> -> memref<128x64xf32, #tpu.memory_space<vmem>>
        tpu.wait_dma2 semaphore(%run_scoped3A_168 : memref<!tpu.dma_semaphore, #tpu.memory_space<semaphore_mem>>) src(%dma_wait3A_200 : memref<128x64xf32, #tpu.memory_space<vmem>>) dst(%dma_wait3A_196 : memref<128x64xf32, #tpu.memory_space<hbm>>)
        tpu.yield
      }) : () -> ()
      %lt3A_140 = arith.constant 4 : i32
      %lt3A_141 = arith.cmpi slt, %scan3A_57, %lt3A_140 : i32
      %convert_element_type3A_142 = arith.extui %lt3A_141 : i1 to i32
      %cond3A_143 = arith.constant 0 : i32
      %cond3A_144 = arith.cmpi ne, %convert_element_type3A_142, %cond3A_143 : i32
      scf.if %cond3A_144 {
        %add3A_168 = arith.constant 5 : i32
        %add3A_169 = arith.addi %add3A_125, %add3A_168 : i32
        %mul3A_170 = arith.constant 128 : i32
        %mul3A_171 = arith.muli %add3A_169, %mul3A_170 : i32
        %dma_start3A_172 = arith.constant 3 : i32
        %dma_start3A_173 = arith.constant 0 : i32
        %dma_start3A_174 = arith.constant 0 : i32
        %dma_start3A_175 = tpu.memref_slice %arg6[%dma_start3A_172, %dma_start3A_173, %dma_start3A_174] : memref<5x128x64xf32, #tpu.memory_space<vmem>> -> memref<1x128x64xf32, #tpu.memory_space<vmem>>
        %dma_start3A_176 = tpu.memref_squeeze %dma_start3A_175 : memref<1x128x64xf32, #tpu.memory_space<vmem>> -> memref<128x64xf32, #tpu.memory_space<vmem>>
        %dma_start3A_177 = tpu.memref_slice %arg5[%mul3A_171] : memref<3200xi32, #tpu.memory_space<vmem>> -> memref<128xi32, #tpu.memory_space<vmem>>
        %dma_start3A_178 = arith.constant 0 : i32
        %dma_start3A_179 = arith.constant 0 : i32
        %dma_start3A_180 = tpu.memref_slice %arg2[%dma_start3A_178, %dma_start3A_179] : memref<1000000x64xf32, #tpu.memory_space<hbm>> -> memref<1000000x64xf32, #tpu.memory_space<hbm>>
        tpu.enqueue_indirect_dma source(%dma_start3A_180 : memref<1000000x64xf32, #tpu.memory_space<hbm>>) target(%dma_start3A_176 : memref<128x64xf32, #tpu.memory_space<vmem>>) offsets(%dma_start3A_177 : memref<128xi32, #tpu.memory_space<vmem>>) semaphore(%arg7 : memref<!tpu.dma_semaphore, #tpu.memory_space<semaphore_mem>>)
      } else {
      }
      %mul3A_145 = arith.constant 5 : i32
      %mul3A_146 = arith.muli %scan3A_57, %mul3A_145 : i32
      %add3A_147 = arith.constant 4 : i32
      %add3A_148 = arith.addi %mul3A_146, %add3A_147 : i32
      %dma_wait3A_149 = arith.constant 4 : i32
      %dma_wait3A_150 = arith.constant 0 : i32
      %dma_wait3A_151 = arith.constant 0 : i32
      %dma_wait3A_152 = tpu.memref_slice %arg6[%dma_wait3A_149, %dma_wait3A_150, %dma_wait3A_151] : memref<5x128x64xf32, #tpu.memory_space<vmem>> -> memref<1x128x64xf32, #tpu.memory_space<vmem>>
      %dma_wait3A_153 = tpu.memref_squeeze %dma_wait3A_152 : memref<1x128x64xf32, #tpu.memory_space<vmem>> -> memref<128x64xf32, #tpu.memory_space<vmem>>
      %dma_wait3A_154 = arith.constant 0 : i32
      %dma_wait3A_155 = tpu.memref_slice %arg5[%dma_wait3A_154] : memref<3200xi32, #tpu.memory_space<vmem>> -> memref<128xi32, #tpu.memory_space<vmem>>
      %dma_wait3A_156 = arith.constant 0 : i32
      %dma_wait3A_157 = arith.constant 0 : i32
      %dma_wait3A_158 = tpu.memref_slice %arg2[%dma_wait3A_156, %dma_wait3A_157] : memref<1000000x64xf32, #tpu.memory_space<hbm>> -> memref<1000000x64xf32, #tpu.memory_space<hbm>>
      tpu.wait_indirect_dma semaphore(%arg7 : memref<!tpu.dma_semaphore, #tpu.memory_space<semaphore_mem>>) src(%dma_wait3A_158 : memref<1000000x64xf32, #tpu.memory_space<hbm>>) dst(%dma_wait3A_153 : memref<128x64xf32, #tpu.memory_space<vmem>>)
      %mul3A_159 = arith.constant 25 : i32
      %mul3A_160 = arith.muli %add3A, %mul3A_159 : i32
      %add3A_161 = arith.addi %mul3A_160, %add3A_148 : i32
      %run_scoped3A_162 = arith.constant 4 : i32
      "tpu.region"() ({
        %run_scoped3A_168 = tpu.sem_alloc : memref<!tpu.dma_semaphore, #tpu.memory_space<semaphore_mem>>
        %dma_start3A_169 = arith.constant 0 : i32
        %dma_start3A_170 = arith.constant 0 : i32
        %dma_start3A_171 = tpu.memref_slice %arg6[%run_scoped3A_162, %dma_start3A_169, %dma_start3A_170] : memref<5x128x64xf32, #tpu.memory_space<vmem>> -> memref<1x128x64xf32, #tpu.memory_space<vmem>>
        %dma_start3A_172 = tpu.memref_squeeze %dma_start3A_171 : memref<1x128x64xf32, #tpu.memory_space<vmem>> -> memref<128x64xf32, #tpu.memory_space<vmem>>
        %dma_start3A_173 = arith.constant 0 : i32
        %dma_start3A_174 = arith.constant 0 : i32
        %dma_start3A_175 = tpu.memref_slice %arg4[%add3A_161, %dma_start3A_173, %dma_start3A_174] : memref<800x128x64xf32, #tpu.memory_space<hbm>> -> memref<1x128x64xf32, #tpu.memory_space<hbm>>
        %dma_start3A_176 = tpu.memref_squeeze %dma_start3A_175 : memref<1x128x64xf32, #tpu.memory_space<hbm>> -> memref<128x64xf32, #tpu.memory_space<hbm>>
        %dma_start3A_177 = arith.constant 0 : i32
        %dma_start3A_178 = arith.constant 0 : i32
        %dma_start3A_179 = tpu.memref_slice %arg4[%add3A_161, %dma_start3A_177, %dma_start3A_178] : memref<800x128x64xf32, #tpu.memory_space<hbm>> -> memref<1x128x64xf32, #tpu.memory_space<hbm>>
        %dma_start3A_180 = tpu.memref_squeeze %dma_start3A_179 : memref<1x128x64xf32, #tpu.memory_space<hbm>> -> memref<128x64xf32, #tpu.memory_space<hbm>>
        %dma_start3A_181 = arith.constant 0 : i32
        %dma_start3A_182 = arith.constant 0 : i32
        %dma_start3A_183 = tpu.memref_slice %arg6[%run_scoped3A_162, %dma_start3A_181, %dma_start3A_182] : memref<5x128x64xf32, #tpu.memory_space<vmem>> -> memref<1x128x64xf32, #tpu.memory_space<vmem>>
        %dma_start3A_184 = tpu.memref_squeeze %dma_start3A_183 : memref<1x128x64xf32, #tpu.memory_space<vmem>> -> memref<128x64xf32, #tpu.memory_space<vmem>>
        tpu.enqueue_dma source(%dma_start3A_184 : memref<128x64xf32, #tpu.memory_space<vmem>>) target(%dma_start3A_180 : memref<128x64xf32, #tpu.memory_space<hbm>>) target_semaphore(%run_scoped3A_168 : memref<!tpu.dma_semaphore, #tpu.memory_space<semaphore_mem>>)
        %dma_wait3A_185 = arith.constant 0 : i32
        %dma_wait3A_186 = arith.constant 0 : i32
        %dma_wait3A_187 = tpu.memref_slice %arg6[%run_scoped3A_162, %dma_wait3A_185, %dma_wait3A_186] : memref<5x128x64xf32, #tpu.memory_space<vmem>> -> memref<1x128x64xf32, #tpu.memory_space<vmem>>
        %dma_wait3A_188 = tpu.memref_squeeze %dma_wait3A_187 : memref<1x128x64xf32, #tpu.memory_space<vmem>> -> memref<128x64xf32, #tpu.memory_space<vmem>>
        %dma_wait3A_189 = arith.constant 0 : i32
        %dma_wait3A_190 = arith.constant 0 : i32
        %dma_wait3A_191 = tpu.memref_slice %arg4[%add3A_161, %dma_wait3A_189, %dma_wait3A_190] : memref<800x128x64xf32, #tpu.memory_space<hbm>> -> memref<1x128x64xf32, #tpu.memory_space<hbm>>
        %dma_wait3A_192 = tpu.memref_squeeze %dma_wait3A_191 : memref<1x128x64xf32, #tpu.memory_space<hbm>> -> memref<128x64xf32, #tpu.memory_space<hbm>>
        %dma_wait3A_193 = arith.constant 0 : i32
        %dma_wait3A_194 = arith.constant 0 : i32
        %dma_wait3A_195 = tpu.memref_slice %arg4[%add3A_161, %dma_wait3A_193, %dma_wait3A_194] : memref<800x128x64xf32, #tpu.memory_space<hbm>> -> memref<1x128x64xf32, #tpu.memory_space<hbm>>
        %dma_wait3A_196 = tpu.memref_squeeze %dma_wait3A_195 : memref<1x128x64xf32, #tpu.memory_space<hbm>> -> memref<128x64xf32, #tpu.memory_space<hbm>>
        %dma_wait3A_197 = arith.constant 0 : i32
        %dma_wait3A_198 = arith.constant 0 : i32
        %dma_wait3A_199 = tpu.memref_slice %arg6[%run_scoped3A_162, %dma_wait3A_197, %dma_wait3A_198] : memref<5x128x64xf32, #tpu.memory_space<vmem>> -> memref<1x128x64xf32, #tpu.memory_space<vmem>>
        %dma_wait3A_200 = tpu.memref_squeeze %dma_wait3A_199 : memref<1x128x64xf32, #tpu.memory_space<vmem>> -> memref<128x64xf32, #tpu.memory_space<vmem>>
        tpu.wait_dma2 semaphore(%run_scoped3A_168 : memref<!tpu.dma_semaphore, #tpu.memory_space<semaphore_mem>>) src(%dma_wait3A_200 : memref<128x64xf32, #tpu.memory_space<vmem>>) dst(%dma_wait3A_196 : memref<128x64xf32, #tpu.memory_space<hbm>>)
        tpu.yield
      }) : () -> ()
      %lt3A_163 = arith.constant 4 : i32
      %lt3A_164 = arith.cmpi slt, %scan3A_57, %lt3A_163 : i32
      %convert_element_type3A_165 = arith.extui %lt3A_164 : i1 to i32
      %cond3A_166 = arith.constant 0 : i32
      %cond3A_167 = arith.cmpi ne, %convert_element_type3A_165, %cond3A_166 : i32
      scf.if %cond3A_167 {
        %add3A_168 = arith.constant 5 : i32
        %add3A_169 = arith.addi %add3A_148, %add3A_168 : i32
        %mul3A_170 = arith.constant 128 : i32
        %mul3A_171 = arith.muli %add3A_169, %mul3A_170 : i32
        %dma_start3A_172 = arith.constant 4 : i32
        %dma_start3A_173 = arith.constant 0 : i32
        %dma_start3A_174 = arith.constant 0 : i32
        %dma_start3A_175 = tpu.memref_slice %arg6[%dma_start3A_172, %dma_start3A_173, %dma_start3A_174] : memref<5x128x64xf32, #tpu.memory_space<vmem>> -> memref<1x128x64xf32, #tpu.memory_space<vmem>>
        %dma_start3A_176 = tpu.memref_squeeze %dma_start3A_175 : memref<1x128x64xf32, #tpu.memory_space<vmem>> -> memref<128x64xf32, #tpu.memory_space<vmem>>
        %dma_start3A_177 = tpu.memref_slice %arg5[%mul3A_171] : memref<3200xi32, #tpu.memory_space<vmem>> -> memref<128xi32, #tpu.memory_space<vmem>>
        %dma_start3A_178 = arith.constant 0 : i32
        %dma_start3A_179 = arith.constant 0 : i32
        %dma_start3A_180 = tpu.memref_slice %arg2[%dma_start3A_178, %dma_start3A_179] : memref<1000000x64xf32, #tpu.memory_space<hbm>> -> memref<1000000x64xf32, #tpu.memory_space<hbm>>
        tpu.enqueue_indirect_dma source(%dma_start3A_180 : memref<1000000x64xf32, #tpu.memory_space<hbm>>) target(%dma_start3A_176 : memref<128x64xf32, #tpu.memory_space<vmem>>) offsets(%dma_start3A_177 : memref<128xi32, #tpu.memory_space<vmem>>) semaphore(%arg7 : memref<!tpu.dma_semaphore, #tpu.memory_space<semaphore_mem>>)
      } else {
      }
    }
    %scan3A_56 = arith.constant 5 : i32
    return
  }
}

#map = affine_map<(d0, d1) -> (0, 0)>
#map1 = affine_map<(d0, d1) -> (0)>
#map2 = affine_map<(d0, d1) -> (0, 0, 0)>
module attributes {stable_mosaic.version = 14 : i64} {
  func.func @gather(%arg0: i32, %arg1: i32, %arg2: memref<1000000x64xf32, #tpu.memory_space<hbm>>, %arg3: memref<102400xi32, #tpu.memory_space<hbm>>, %arg4: memref<800x128x64xf32, #tpu.memory_space<hbm>>, %arg5: memref<3200xi32, #tpu.memory_space<vmem>>, %arg6: memref<5x128x64xf32, #tpu.memory_space<vmem>>, %arg7: memref<!tpu.dma_semaphore, #tpu.memory_space<semaphore_mem>>) attributes {dimension_semantics = [#tpu.dimension_semantics<core_parallel>, #tpu.dimension_semantics<subcore_parallel>], iteration_bounds = array<i64: 2, 16>, scalar_prefetch = 0 : i64, scratch_operands = 3 : i64, tpu.core_type = #tpu.core_type<sc_vector_subcore>, window_params = [{transform_indices = #map}, {transform_indices = #map1}, {transform_indices = #map2}]} {
    %mul3A = arith.constant 2 : i32
    %mul3A_0 = arith.muli %arg1, %mul3A : i32
    %add3A = arith.addi %mul3A_0, %arg0 : i32
    %mul3A_1 = arith.constant 3200 : i32
    %mul3A_2 = arith.muli %add3A, %mul3A_1 : i32
    "tpu.region"() ({
      %run_scoped3A = tpu.sem_alloc : memref<!tpu.dma_semaphore, #tpu.memory_space<semaphore_mem>>
      %dma_start3A_57 = tpu.memref_slice %arg3[%mul3A_2] : memref<102400xi32, #tpu.memory_space<hbm>> -> memref<3200xi32, #tpu.memory_space<hbm>>
      %dma_start3A_58 = tpu.memref_slice %arg3[%mul3A_2] : memref<102400xi32, #tpu.memory_space<hbm>> -> memref<3200xi32, #tpu.memory_space<hbm>>
      tpu.enqueue_dma source(%dma_start3A_58 : memref<3200xi32, #tpu.memory_space<hbm>>) target(%arg5 : memref<3200xi32, #tpu.memory_space<vmem>>) target_semaphore(%run_scoped3A : memref<!tpu.dma_semaphore, #tpu.memory_space<semaphore_mem>>)
      %dma_wait3A = tpu.memref_slice %arg3[%mul3A_2] : memref<102400xi32, #tpu.memory_space<hbm>> -> memref<3200xi32, #tpu.memory_space<hbm>>
      %dma_wait3A_59 = tpu.memref_slice %arg3[%mul3A_2] : memref<102400xi32, #tpu.memory_space<hbm>> -> memref<3200xi32, #tpu.memory_space<hbm>>
      tpu.wait_dma2 semaphore(%run_scoped3A : memref<!tpu.dma_semaphore, #tpu.memory_space<semaphore_mem>>) src(%dma_wait3A_59 : memref<3200xi32, #tpu.memory_space<hbm>>) dst(%arg5 : memref<3200xi32, #tpu.memory_space<vmem>>)
      tpu.yield
    }) : () -> ()
    %dma_start3A = arith.constant 0 : i32
    %dma_start3A_3 = arith.constant 0 : i32
    %dma_start3A_4 = arith.constant 0 : i32
    %dma_start3A_5 = tpu.memref_slice %arg6[%dma_start3A, %dma_start3A_3, %dma_start3A_4] : memref<5x128x64xf32, #tpu.memory_space<vmem>> -> memref<1x128x64xf32, #tpu.memory_space<vmem>>
    %dma_start3A_6 = tpu.memref_squeeze %dma_start3A_5 : memref<1x128x64xf32, #tpu.memory_space<vmem>> -> memref<128x64xf32, #tpu.memory_space<vmem>>
    %dma_start3A_7 = arith.constant 0 : i32
    %dma_start3A_8 = tpu.memref_slice %arg5[%dma_start3A_7] : memref<3200xi32, #tpu.memory_space<vmem>> -> memref<128xi32, #tpu.memory_space<vmem>>
    %dma_start3A_9 = arith.constant 0 : i32
    %dma_start3A_10 = arith.constant 0 : i32
    %dma_start3A_11 = tpu.memref_slice %arg2[%dma_start3A_9, %dma_start3A_10] : memref<1000000x64xf32, #tpu.memory_space<hbm>> -> memref<1000000x64xf32, #tpu.memory_space<hbm>>
    tpu.enqueue_indirect_dma source(%dma_start3A_11 : memref<1000000x64xf32, #tpu.memory_space<hbm>>) target(%dma_start3A_6 : memref<128x64xf32, #tpu.memory_space<vmem>>) offsets(%dma_start3A_8 : memref<128xi32, #tpu.memory_space<vmem>>) semaphore(%arg7 : memref<!tpu.dma_semaphore, #tpu.memory_space<semaphore_mem>>)
    %dma_start3A_12 = arith.constant 1 : i32
    %dma_start3A_13 = arith.constant 0 : i32
    %dma_start3A_14 = arith.constant 0 : i32
    %dma_start3A_15 = tpu.memref_slice %arg6[%dma_start3A_12, %dma_start3A_13, %dma_start3A_14] : memref<5x128x64xf32, #tpu.memory_space<vmem>> -> memref<1x128x64xf32, #tpu.memory_space<vmem>>
    %dma_start3A_16 = tpu.memref_squeeze %dma_start3A_15 : memref<1x128x64xf32, #tpu.memory_space<vmem>> -> memref<128x64xf32, #tpu.memory_space<vmem>>
    %dma_start3A_17 = arith.constant 128 : i32
    %dma_start3A_18 = tpu.memref_slice %arg5[%dma_start3A_17] : memref<3200xi32, #tpu.memory_space<vmem>> -> memref<128xi32, #tpu.memory_space<vmem>>
    %dma_start3A_19 = arith.constant 0 : i32
    %dma_start3A_20 = arith.constant 0 : i32
    %dma_start3A_21 = tpu.memref_slice %arg2[%dma_start3A_19, %dma_start3A_20] : memref<1000000x64xf32, #tpu.memory_space<hbm>> -> memref<1000000x64xf32, #tpu.memory_space<hbm>>
    tpu.enqueue_indirect_dma source(%dma_start3A_21 : memref<1000000x64xf32, #tpu.memory_space<hbm>>) target(%dma_start3A_16 : memref<128x64xf32, #tpu.memory_space<vmem>>) offsets(%dma_start3A_18 : memref<128xi32, #tpu.memory_space<vmem>>) semaphore(%arg7 : memref<!tpu.dma_semaphore, #tpu.memory_space<semaphore_mem>>)
    %dma_start3A_22 = arith.constant 2 : i32
    %dma_start3A_23 = arith.constant 0 : i32
    %dma_start3A_24 = arith.constant 0 : i32
    %dma_start3A_25 = tpu.memref_slice %arg6[%dma_start3A_22, %dma_start3A_23, %dma_start3A_24] : memref<5x128x64xf32, #tpu.memory_space<vmem>> -> memref<1x128x64xf32, #tpu.memory_space<vmem>>
    %dma_start3A_26 = tpu.memref_squeeze %dma_start3A_25 : memref<1x128x64xf32, #tpu.memory_space<vmem>> -> memref<128x64xf32, #tpu.memory_space<vmem>>
    %dma_start3A_27 = arith.constant 256 : i32
    %dma_start3A_28 = tpu.memref_slice %arg5[%dma_start3A_27] : memref<3200xi32, #tpu.memory_space<vmem>> -> memref<128xi32, #tpu.memory_space<vmem>>
    %dma_start3A_29 = arith.constant 0 : i32
    %dma_start3A_30 = arith.constant 0 : i32
    %dma_start3A_31 = tpu.memref_slice %arg2[%dma_start3A_29, %dma_start3A_30] : memref<1000000x64xf32, #tpu.memory_space<hbm>> -> memref<1000000x64xf32, #tpu.memory_space<hbm>>
    tpu.enqueue_indirect_dma source(%dma_start3A_31 : memref<1000000x64xf32, #tpu.memory_space<hbm>>) target(%dma_start3A_26 : memref<128x64xf32, #tpu.memory_space<vmem>>) offsets(%dma_start3A_28 : memref<128xi32, #tpu.memory_space<vmem>>) semaphore(%arg7 : memref<!tpu.dma_semaphore, #tpu.memory_space<semaphore_mem>>)
    %dma_start3A_32 = arith.constant 3 : i32
    %dma_start3A_33 = arith.constant 0 : i32
    %dma_start3A_34 = arith.constant 0 : i32
    %dma_start3A_35 = tpu.memref_slice %arg6[%dma_start3A_32, %dma_start3A_33, %dma_start3A_34] : memref<5x128x64xf32, #tpu.memory_space<vmem>> -> memref<1x128x64xf32, #tpu.memory_space<vmem>>
    %dma_start3A_36 = tpu.memref_squeeze %dma_start3A_35 : memref<1x128x64xf32, #tpu.memory_space<vmem>> -> memref<128x64xf32, #tpu.memory_space<vmem>>
    %dma_start3A_37 = arith.constant 384 : i32
    %dma_start3A_38 = tpu.memref_slice %arg5[%dma_start3A_37] : memref<3200xi32, #tpu.memory_space<vmem>> -> memref<128xi32, #tpu.memory_space<vmem>>
    %dma_start3A_39 = arith.constant 0 : i32
    %dma_start3A_40 = arith.constant 0 : i32
    %dma_start3A_41 = tpu.memref_slice %arg2[%dma_start3A_39, %dma_start3A_40] : memref<1000000x64xf32, #tpu.memory_space<hbm>> -> memref<1000000x64xf32, #tpu.memory_space<hbm>>
    tpu.enqueue_indirect_dma source(%dma_start3A_41 : memref<1000000x64xf32, #tpu.memory_space<hbm>>) target(%dma_start3A_36 : memref<128x64xf32, #tpu.memory_space<vmem>>) offsets(%dma_start3A_38 : memref<128xi32, #tpu.memory_space<vmem>>) semaphore(%arg7 : memref<!tpu.dma_semaphore, #tpu.memory_space<semaphore_mem>>)
    %dma_start3A_42 = arith.constant 4 : i32
    %dma_start3A_43 = arith.constant 0 : i32
    %dma_start3A_44 = arith.constant 0 : i32
    %dma_start3A_45 = tpu.memref_slice %arg6[%dma_start3A_42, %dma_start3A_43, %dma_start3A_44] : memref<5x128x64xf32, #tpu.memory_space<vmem>> -> memref<1x128x64xf32, #tpu.memory_space<vmem>>
    %dma_start3A_46 = tpu.memref_squeeze %dma_start3A_45 : memref<1x128x64xf32, #tpu.memory_space<vmem>> -> memref<128x64xf32, #tpu.memory_space<vmem>>
    %dma_start3A_47 = arith.constant 512 : i32
    %dma_start3A_48 = tpu.memref_slice %arg5[%dma_start3A_47] : memref<3200xi32, #tpu.memory_space<vmem>> -> memref<128xi32, #tpu.memory_space<vmem>>
    %dma_start3A_49 = arith.constant 0 : i32
    %dma_start3A_50 = arith.constant 0 : i32
    %dma_start3A_51 = tpu.memref_slice %arg2[%dma_start3A_49, %dma_start3A_50] : memref<1000000x64xf32, #tpu.memory_space<hbm>> -> memref<1000000x64xf32, #tpu.memory_space<hbm>>
    tpu.enqueue_indirect_dma source(%dma_start3A_51 : memref<1000000x64xf32, #tpu.memory_space<hbm>>) target(%dma_start3A_46 : memref<128x64xf32, #tpu.memory_space<vmem>>) offsets(%dma_start3A_48 : memref<128xi32, #tpu.memory_space<vmem>>) semaphore(%arg7 : memref<!tpu.dma_semaphore, #tpu.memory_space<semaphore_mem>>)
    %scan3A = arith.constant 0 : i32
    %scan3A_52 = arith.constant 0 : i32
    %scan3A_53 = arith.constant 5 : i32
    %scan3A_54 = arith.addi %scan3A_52, %scan3A_53 : i32
    %scan3A_55 = arith.constant 1 : i32
    scf.for %scan3A_57 = %scan3A_52 to %scan3A_54 step %scan3A_55  : i32 {
      %mul3A_58 = arith.constant 5 : i32
      %mul3A_59 = arith.muli %scan3A_57, %mul3A_58 : i32
      %add3A_60 = arith.constant 0 : i32
      %add3A_61 = arith.addi %mul3A_59, %add3A_60 : i32
      %dma_wait3A = arith.constant 0 : i32
      %dma_wait3A_62 = arith.constant 0 : i32
      %dma_wait3A_63 = arith.constant 0 : i32
      %dma_wait3A_64 = tpu.memref_slice %arg6[%dma_wait3A, %dma_wait3A_62, %dma_wait3A_63] : memref<5x128x64xf32, #tpu.memory_space<vmem>> -> memref<1x128x64xf32, #tpu.memory_space<vmem>>
      %dma_wait3A_65 = tpu.memref_squeeze %dma_wait3A_64 : memref<1x128x64xf32, #tpu.memory_space<vmem>> -> memref<128x64xf32, #tpu.memory_space<vmem>>
      %dma_wait3A_66 = arith.constant 0 : i32
      %dma_wait3A_67 = tpu.memref_slice %arg5[%dma_wait3A_66] : memref<3200xi32, #tpu.memory_space<vmem>> -> memref<128xi32, #tpu.memory_space<vmem>>
      %dma_wait3A_68 = arith.constant 0 : i32
      %dma_wait3A_69 = arith.constant 0 : i32
      %dma_wait3A_70 = tpu.memref_slice %arg2[%dma_wait3A_68, %dma_wait3A_69] : memref<1000000x64xf32, #tpu.memory_space<hbm>> -> memref<1000000x64xf32, #tpu.memory_space<hbm>>
      tpu.wait_indirect_dma semaphore(%arg7 : memref<!tpu.dma_semaphore, #tpu.memory_space<semaphore_mem>>) src(%dma_wait3A_70 : memref<1000000x64xf32, #tpu.memory_space<hbm>>) dst(%dma_wait3A_65 : memref<128x64xf32, #tpu.memory_space<vmem>>)
      %mul3A_71 = arith.constant 25 : i32
      %mul3A_72 = arith.muli %add3A, %mul3A_71 : i32
      %add3A_73 = arith.addi %mul3A_72, %add3A_61 : i32
      %run_scoped3A = arith.constant 0 : i32
      "tpu.region"() ({
        %run_scoped3A_168 = tpu.sem_alloc : memref<!tpu.dma_semaphore, #tpu.memory_space<semaphore_mem>>
        %dma_start3A_169 = arith.constant 0 : i32
        %dma_start3A_170 = arith.constant 0 : i32
        %dma_start3A_171 = tpu.memref_slice %arg6[%run_scoped3A, %dma_start3A_169, %dma_start3A_170] : memref<5x128x64xf32, #tpu.memory_space<vmem>> -> memref<1x128x64xf32, #tpu.memory_space<vmem>>
        %dma_start3A_172 = tpu.memref_squeeze %dma_start3A_171 : memref<1x128x64xf32, #tpu.memory_space<vmem>> -> memref<128x64xf32, #tpu.memory_space<vmem>>
        %dma_start3A_173 = arith.constant 0 : i32
        %dma_start3A_174 = arith.constant 0 : i32
        %dma_start3A_175 = tpu.memref_slice %arg4[%add3A_73, %dma_start3A_173, %dma_start3A_174] : memref<800x128x64xf32, #tpu.memory_space<hbm>> -> memref<1x128x64xf32, #tpu.memory_space<hbm>>
        %dma_start3A_176 = tpu.memref_squeeze %dma_start3A_175 : memref<1x128x64xf32, #tpu.memory_space<hbm>> -> memref<128x64xf32, #tpu.memory_space<hbm>>
        %dma_start3A_177 = arith.constant 0 : i32
        %dma_start3A_178 = arith.constant 0 : i32
        %dma_start3A_179 = tpu.memref_slice %arg4[%add3A_73, %dma_start3A_177, %dma_start3A_178] : memref<800x128x64xf32, #tpu.memory_space<hbm>> -> memref<1x128x64xf32, #tpu.memory_space<hbm>>
        %dma_start3A_180 = tpu.memref_squeeze %dma_start3A_179 : memref<1x128x64xf32, #tpu.memory_space<hbm>> -> memref<128x64xf32, #tpu.memory_space<hbm>>
        %dma_start3A_181 = arith.constant 0 : i32
        %dma_start3A_182 = arith.constant 0 : i32
        %dma_start3A_183 = tpu.memref_slice %arg6[%run_scoped3A, %dma_start3A_181, %dma_start3A_182] : memref<5x128x64xf32, #tpu.memory_space<vmem>> -> memref<1x128x64xf32, #tpu.memory_space<vmem>>
        %dma_start3A_184 = tpu.memref_squeeze %dma_start3A_183 : memref<1x128x64xf32, #tpu.memory_space<vmem>> -> memref<128x64xf32, #tpu.memory_space<vmem>>
        tpu.enqueue_dma source(%dma_start3A_184 : memref<128x64xf32, #tpu.memory_space<vmem>>) target(%dma_start3A_180 : memref<128x64xf32, #tpu.memory_space<hbm>>) target_semaphore(%run_scoped3A_168 : memref<!tpu.dma_semaphore, #tpu.memory_space<semaphore_mem>>)
        %dma_wait3A_185 = arith.constant 0 : i32
        %dma_wait3A_186 = arith.constant 0 : i32
        %dma_wait3A_187 = tpu.memref_slice %arg6[%run_scoped3A, %dma_wait3A_185, %dma_wait3A_186] : memref<5x128x64xf32, #tpu.memory_space<vmem>> -> memref<1x128x64xf32, #tpu.memory_space<vmem>>
        %dma_wait3A_188 = tpu.memref_squeeze %dma_wait3A_187 : memref<1x128x64xf32, #tpu.memory_space<vmem>> -> memref<128x64xf32, #tpu.memory_space<vmem>>
        %dma_wait3A_189 = arith.constant 0 : i32
        %dma_wait3A_190 = arith.constant 0 : i32
        %dma_wait3A_191 = tpu.memref_slice %arg4[%add3A_73, %dma_wait3A_189, %dma_wait3A_190] : memref<800x128x64xf32, #tpu.memory_space<hbm>> -> memref<1x128x64xf32, #tpu.memory_space<hbm>>
        %dma_wait3A_192 = tpu.memref_squeeze %dma_wait3A_191 : memref<1x128x64xf32, #tpu.memory_space<hbm>> -> memref<128x64xf32, #tpu.memory_space<hbm>>
        %dma_wait3A_193 = arith.constant 0 : i32
        %dma_wait3A_194 = arith.constant 0 : i32
        %dma_wait3A_195 = tpu.memref_slice %arg4[%add3A_73, %dma_wait3A_193, %dma_wait3A_194] : memref<800x128x64xf32, #tpu.memory_space<hbm>> -> memref<1x128x64xf32, #tpu.memory_space<hbm>>
        %dma_wait3A_196 = tpu.memref_squeeze %dma_wait3A_195 : memref<1x128x64xf32, #tpu.memory_space<hbm>> -> memref<128x64xf32, #tpu.memory_space<hbm>>
        %dma_wait3A_197 = arith.constant 0 : i32
        %dma_wait3A_198 = arith.constant 0 : i32
        %dma_wait3A_199 = tpu.memref_slice %arg6[%run_scoped3A, %dma_wait3A_197, %dma_wait3A_198] : memref<5x128x64xf32, #tpu.memory_space<vmem>> -> memref<1x128x64xf32, #tpu.memory_space<vmem>>
        %dma_wait3A_200 = tpu.memref_squeeze %dma_wait3A_199 : memref<1x128x64xf32, #tpu.memory_space<vmem>> -> memref<128x64xf32, #tpu.memory_space<vmem>>
        tpu.wait_dma2 semaphore(%run_scoped3A_168 : memref<!tpu.dma_semaphore, #tpu.memory_space<semaphore_mem>>) src(%dma_wait3A_200 : memref<128x64xf32, #tpu.memory_space<vmem>>) dst(%dma_wait3A_196 : memref<128x64xf32, #tpu.memory_space<hbm>>)
        tpu.yield
      }) : () -> ()
      %lt3A = arith.constant 4 : i32
      %lt3A_74 = arith.cmpi slt, %scan3A_57, %lt3A : i32
      %convert_element_type3A = arith.extui %lt3A_74 : i1 to i32
      %cond3A = arith.constant 0 : i32
      %cond3A_75 = arith.cmpi ne, %convert_element_type3A, %cond3A : i32
      scf.if %cond3A_75 {
        %add3A_168 = arith.constant 5 : i32
        %add3A_169 = arith.addi %add3A_61, %add3A_168 : i32
        %mul3A_170 = arith.constant 128 : i32
        %mul3A_171 = arith.muli %add3A_169, %mul3A_170 : i32
        %dma_start3A_172 = arith.constant 0 : i32
        %dma_start3A_173 = arith.constant 0 : i32
        %dma_start3A_174 = arith.constant 0 : i32
        %dma_start3A_175 = tpu.memref_slice %arg6[%dma_start3A_172, %dma_start3A_173, %dma_start3A_174] : memref<5x128x64xf32, #tpu.memory_space<vmem>> -> memref<1x128x64xf32, #tpu.memory_space<vmem>>
        %dma_start3A_176 = tpu.memref_squeeze %dma_start3A_175 : memref<1x128x64xf32, #tpu.memory_space<vmem>> -> memref<128x64xf32, #tpu.memory_space<vmem>>
        %dma_start3A_177 = tpu.memref_slice %arg5[%mul3A_171] : memref<3200xi32, #tpu.memory_space<vmem>> -> memref<128xi32, #tpu.memory_space<vmem>>
        %dma_start3A_178 = arith.constant 0 : i32
        %dma_start3A_179 = arith.constant 0 : i32
        %dma_start3A_180 = tpu.memref_slice %arg2[%dma_start3A_178, %dma_start3A_179] : memref<1000000x64xf32, #tpu.memory_space<hbm>> -> memref<1000000x64xf32, #tpu.memory_space<hbm>>
        tpu.enqueue_indirect_dma source(%dma_start3A_180 : memref<1000000x64xf32, #tpu.memory_space<hbm>>) target(%dma_start3A_176 : memref<128x64xf32, #tpu.memory_space<vmem>>) offsets(%dma_start3A_177 : memref<128xi32, #tpu.memory_space<vmem>>) semaphore(%arg7 : memref<!tpu.dma_semaphore, #tpu.memory_space<semaphore_mem>>)
      } else {
      }
      %mul3A_76 = arith.constant 5 : i32
      %mul3A_77 = arith.muli %scan3A_57, %mul3A_76 : i32
      %add3A_78 = arith.constant 1 : i32
      %add3A_79 = arith.addi %mul3A_77, %add3A_78 : i32
      %dma_wait3A_80 = arith.constant 1 : i32
      %dma_wait3A_81 = arith.constant 0 : i32
      %dma_wait3A_82 = arith.constant 0 : i32
      %dma_wait3A_83 = tpu.memref_slice %arg6[%dma_wait3A_80, %dma_wait3A_81, %dma_wait3A_82] : memref<5x128x64xf32, #tpu.memory_space<vmem>> -> memref<1x128x64xf32, #tpu.memory_space<vmem>>
      %dma_wait3A_84 = tpu.memref_squeeze %dma_wait3A_83 : memref<1x128x64xf32, #tpu.memory_space<vmem>> -> memref<128x64xf32, #tpu.memory_space<vmem>>
      %dma_wait3A_85 = arith.constant 0 : i32
      %dma_wait3A_86 = tpu.memref_slice %arg5[%dma_wait3A_85] : memref<3200xi32, #tpu.memory_space<vmem>> -> memref<128xi32, #tpu.memory_space<vmem>>
      %dma_wait3A_87 = arith.constant 0 : i32
      %dma_wait3A_88 = arith.constant 0 : i32
      %dma_wait3A_89 = tpu.memref_slice %arg2[%dma_wait3A_87, %dma_wait3A_88] : memref<1000000x64xf32, #tpu.memory_space<hbm>> -> memref<1000000x64xf32, #tpu.memory_space<hbm>>
      tpu.wait_indirect_dma semaphore(%arg7 : memref<!tpu.dma_semaphore, #tpu.memory_space<semaphore_mem>>) src(%dma_wait3A_89 : memref<1000000x64xf32, #tpu.memory_space<hbm>>) dst(%dma_wait3A_84 : memref<128x64xf32, #tpu.memory_space<vmem>>)
      %mul3A_90 = arith.constant 25 : i32
      %mul3A_91 = arith.muli %add3A, %mul3A_90 : i32
      %add3A_92 = arith.addi %mul3A_91, %add3A_79 : i32
      %run_scoped3A_93 = arith.constant 1 : i32
      "tpu.region"() ({
        %run_scoped3A_168 = tpu.sem_alloc : memref<!tpu.dma_semaphore, #tpu.memory_space<semaphore_mem>>
        %dma_start3A_169 = arith.constant 0 : i32
        %dma_start3A_170 = arith.constant 0 : i32
        %dma_start3A_171 = tpu.memref_slice %arg6[%run_scoped3A_93, %dma_start3A_169, %dma_start3A_170] : memref<5x128x64xf32, #tpu.memory_space<vmem>> -> memref<1x128x64xf32, #tpu.memory_space<vmem>>
        %dma_start3A_172 = tpu.memref_squeeze %dma_start3A_171 : memref<1x128x64xf32, #tpu.memory_space<vmem>> -> memref<128x64xf32, #tpu.memory_space<vmem>>
        %dma_start3A_173 = arith.constant 0 : i32
        %dma_start3A_174 = arith.constant 0 : i32
        %dma_start3A_175 = tpu.memref_slice %arg4[%add3A_92, %dma_start3A_173, %dma_start3A_174] : memref<800x128x64xf32, #tpu.memory_space<hbm>> -> memref<1x128x64xf32, #tpu.memory_space<hbm>>
        %dma_start3A_176 = tpu.memref_squeeze %dma_start3A_175 : memref<1x128x64xf32, #tpu.memory_space<hbm>> -> memref<128x64xf32, #tpu.memory_space<hbm>>
        %dma_start3A_177 = arith.constant 0 : i32
        %dma_start3A_178 = arith.constant 0 : i32
        %dma_start3A_179 = tpu.memref_slice %arg4[%add3A_92, %dma_start3A_177, %dma_start3A_178] : memref<800x128x64xf32, #tpu.memory_space<hbm>> -> memref<1x128x64xf32, #tpu.memory_space<hbm>>
        %dma_start3A_180 = tpu.memref_squeeze %dma_start3A_179 : memref<1x128x64xf32, #tpu.memory_space<hbm>> -> memref<128x64xf32, #tpu.memory_space<hbm>>
        %dma_start3A_181 = arith.constant 0 : i32
        %dma_start3A_182 = arith.constant 0 : i32
        %dma_start3A_183 = tpu.memref_slice %arg6[%run_scoped3A_93, %dma_start3A_181, %dma_start3A_182] : memref<5x128x64xf32, #tpu.memory_space<vmem>> -> memref<1x128x64xf32, #tpu.memory_space<vmem>>
        %dma_start3A_184 = tpu.memref_squeeze %dma_start3A_183 : memref<1x128x64xf32, #tpu.memory_space<vmem>> -> memref<128x64xf32, #tpu.memory_space<vmem>>
        tpu.enqueue_dma source(%dma_start3A_184 : memref<128x64xf32, #tpu.memory_space<vmem>>) target(%dma_start3A_180 : memref<128x64xf32, #tpu.memory_space<hbm>>) target_semaphore(%run_scoped3A_168 : memref<!tpu.dma_semaphore, #tpu.memory_space<semaphore_mem>>)
        %dma_wait3A_185 = arith.constant 0 : i32
        %dma_wait3A_186 = arith.constant 0 : i32
        %dma_wait3A_187 = tpu.memref_slice %arg6[%run_scoped3A_93, %dma_wait3A_185, %dma_wait3A_186] : memref<5x128x64xf32, #tpu.memory_space<vmem>> -> memref<1x128x64xf32, #tpu.memory_space<vmem>>
        %dma_wait3A_188 = tpu.memref_squeeze %dma_wait3A_187 : memref<1x128x64xf32, #tpu.memory_space<vmem>> -> memref<128x64xf32, #tpu.memory_space<vmem>>
        %dma_wait3A_189 = arith.constant 0 : i32
        %dma_wait3A_190 = arith.constant 0 : i32
        %dma_wait3A_191 = tpu.memref_slice %arg4[%add3A_92, %dma_wait3A_189, %dma_wait3A_190] : memref<800x128x64xf32, #tpu.memory_space<hbm>> -> memref<1x128x64xf32, #tpu.memory_space<hbm>>
        %dma_wait3A_192 = tpu.memref_squeeze %dma_wait3A_191 : memref<1x128x64xf32, #tpu.memory_space<hbm>> -> memref<128x64xf32, #tpu.memory_space<hbm>>
        %dma_wait3A_193 = arith.constant 0 : i32
        %dma_wait3A_194 = arith.constant 0 : i32
        %dma_wait3A_195 = tpu.memref_slice %arg4[%add3A_92, %dma_wait3A_193, %dma_wait3A_194] : memref<800x128x64xf32, #tpu.memory_space<hbm>> -> memref<1x128x64xf32, #tpu.memory_space<hbm>>
        %dma_wait3A_196 = tpu.memref_squeeze %dma_wait3A_195 : memref<1x128x64xf32, #tpu.memory_space<hbm>> -> memref<128x64xf32, #tpu.memory_space<hbm>>
        %dma_wait3A_197 = arith.constant 0 : i32
        %dma_wait3A_198 = arith.constant 0 : i32
        %dma_wait3A_199 = tpu.memref_slice %arg6[%run_scoped3A_93, %dma_wait3A_197, %dma_wait3A_198] : memref<5x128x64xf32, #tpu.memory_space<vmem>> -> memref<1x128x64xf32, #tpu.memory_space<vmem>>
        %dma_wait3A_200 = tpu.memref_squeeze %dma_wait3A_199 : memref<1x128x64xf32, #tpu.memory_space<vmem>> -> memref<128x64xf32, #tpu.memory_space<vmem>>
        tpu.wait_dma2 semaphore(%run_scoped3A_168 : memref<!tpu.dma_semaphore, #tpu.memory_space<semaphore_mem>>) src(%dma_wait3A_200 : memref<128x64xf32, #tpu.memory_space<vmem>>) dst(%dma_wait3A_196 : memref<128x64xf32, #tpu.memory_space<hbm>>)
        tpu.yield
      }) : () -> ()
      %lt3A_94 = arith.constant 4 : i32
      %lt3A_95 = arith.cmpi slt, %scan3A_57, %lt3A_94 : i32
      %convert_element_type3A_96 = arith.extui %lt3A_95 : i1 to i32
      %cond3A_97 = arith.constant 0 : i32
      %cond3A_98 = arith.cmpi ne, %convert_element_type3A_96, %cond3A_97 : i32
      scf.if %cond3A_98 {
        %add3A_168 = arith.constant 5 : i32
        %add3A_169 = arith.addi %add3A_79, %add3A_168 : i32
        %mul3A_170 = arith.constant 128 : i32
        %mul3A_171 = arith.muli %add3A_169, %mul3A_170 : i32
        %dma_start3A_172 = arith.constant 1 : i32
        %dma_start3A_173 = arith.constant 0 : i32
        %dma_start3A_174 = arith.constant 0 : i32
        %dma_start3A_175 = tpu.memref_slice %arg6[%dma_start3A_172, %dma_start3A_173, %dma_start3A_174] : memref<5x128x64xf32, #tpu.memory_space<vmem>> -> memref<1x128x64xf32, #tpu.memory_space<vmem>>
        %dma_start3A_176 = tpu.memref_squeeze %dma_start3A_175 : memref<1x128x64xf32, #tpu.memory_space<vmem>> -> memref<128x64xf32, #tpu.memory_space<vmem>>
        %dma_start3A_177 = tpu.memref_slice %arg5[%mul3A_171] : memref<3200xi32, #tpu.memory_space<vmem>> -> memref<128xi32, #tpu.memory_space<vmem>>
        %dma_start3A_178 = arith.constant 0 : i32
        %dma_start3A_179 = arith.constant 0 : i32
        %dma_start3A_180 = tpu.memref_slice %arg2[%dma_start3A_178, %dma_start3A_179] : memref<1000000x64xf32, #tpu.memory_space<hbm>> -> memref<1000000x64xf32, #tpu.memory_space<hbm>>
        tpu.enqueue_indirect_dma source(%dma_start3A_180 : memref<1000000x64xf32, #tpu.memory_space<hbm>>) target(%dma_start3A_176 : memref<128x64xf32, #tpu.memory_space<vmem>>) offsets(%dma_start3A_177 : memref<128xi32, #tpu.memory_space<vmem>>) semaphore(%arg7 : memref<!tpu.dma_semaphore, #tpu.memory_space<semaphore_mem>>)
      } else {
      }
      %mul3A_99 = arith.constant 5 : i32
      %mul3A_100 = arith.muli %scan3A_57, %mul3A_99 : i32
      %add3A_101 = arith.constant 2 : i32
      %add3A_102 = arith.addi %mul3A_100, %add3A_101 : i32
      %dma_wait3A_103 = arith.constant 2 : i32
      %dma_wait3A_104 = arith.constant 0 : i32
      %dma_wait3A_105 = arith.constant 0 : i32
      %dma_wait3A_106 = tpu.memref_slice %arg6[%dma_wait3A_103, %dma_wait3A_104, %dma_wait3A_105] : memref<5x128x64xf32, #tpu.memory_space<vmem>> -> memref<1x128x64xf32, #tpu.memory_space<vmem>>
      %dma_wait3A_107 = tpu.memref_squeeze %dma_wait3A_106 : memref<1x128x64xf32, #tpu.memory_space<vmem>> -> memref<128x64xf32, #tpu.memory_space<vmem>>
      %dma_wait3A_108 = arith.constant 0 : i32
      %dma_wait3A_109 = tpu.memref_slice %arg5[%dma_wait3A_108] : memref<3200xi32, #tpu.memory_space<vmem>> -> memref<128xi32, #tpu.memory_space<vmem>>
      %dma_wait3A_110 = arith.constant 0 : i32
      %dma_wait3A_111 = arith.constant 0 : i32
      %dma_wait3A_112 = tpu.memref_slice %arg2[%dma_wait3A_110, %dma_wait3A_111] : memref<1000000x64xf32, #tpu.memory_space<hbm>> -> memref<1000000x64xf32, #tpu.memory_space<hbm>>
      tpu.wait_indirect_dma semaphore(%arg7 : memref<!tpu.dma_semaphore, #tpu.memory_space<semaphore_mem>>) src(%dma_wait3A_112 : memref<1000000x64xf32, #tpu.memory_space<hbm>>) dst(%dma_wait3A_107 : memref<128x64xf32, #tpu.memory_space<vmem>>)
      %mul3A_113 = arith.constant 25 : i32
      %mul3A_114 = arith.muli %add3A, %mul3A_113 : i32
      %add3A_115 = arith.addi %mul3A_114, %add3A_102 : i32
      %run_scoped3A_116 = arith.constant 2 : i32
      "tpu.region"() ({
        %run_scoped3A_168 = tpu.sem_alloc : memref<!tpu.dma_semaphore, #tpu.memory_space<semaphore_mem>>
        %dma_start3A_169 = arith.constant 0 : i32
        %dma_start3A_170 = arith.constant 0 : i32
        %dma_start3A_171 = tpu.memref_slice %arg6[%run_scoped3A_116, %dma_start3A_169, %dma_start3A_170] : memref<5x128x64xf32, #tpu.memory_space<vmem>> -> memref<1x128x64xf32, #tpu.memory_space<vmem>>
        %dma_start3A_172 = tpu.memref_squeeze %dma_start3A_171 : memref<1x128x64xf32, #tpu.memory_space<vmem>> -> memref<128x64xf32, #tpu.memory_space<vmem>>
        %dma_start3A_173 = arith.constant 0 : i32
        %dma_start3A_174 = arith.constant 0 : i32
        %dma_start3A_175 = tpu.memref_slice %arg4[%add3A_115, %dma_start3A_173, %dma_start3A_174] : memref<800x128x64xf32, #tpu.memory_space<hbm>> -> memref<1x128x64xf32, #tpu.memory_space<hbm>>
        %dma_start3A_176 = tpu.memref_squeeze %dma_start3A_175 : memref<1x128x64xf32, #tpu.memory_space<hbm>> -> memref<128x64xf32, #tpu.memory_space<hbm>>
        %dma_start3A_177 = arith.constant 0 : i32
        %dma_start3A_178 = arith.constant 0 : i32
        %dma_start3A_179 = tpu.memref_slice %arg4[%add3A_115, %dma_start3A_177, %dma_start3A_178] : memref<800x128x64xf32, #tpu.memory_space<hbm>> -> memref<1x128x64xf32, #tpu.memory_space<hbm>>
        %dma_start3A_180 = tpu.memref_squeeze %dma_start3A_179 : memref<1x128x64xf32, #tpu.memory_space<hbm>> -> memref<128x64xf32, #tpu.memory_space<hbm>>
        %dma_start3A_181 = arith.constant 0 : i32
        %dma_start3A_182 = arith.constant 0 : i32
        %dma_start3A_183 = tpu.memref_slice %arg6[%run_scoped3A_116, %dma_start3A_181, %dma_start3A_182] : memref<5x128x64xf32, #tpu.memory_space<vmem>> -> memref<1x128x64xf32, #tpu.memory_space<vmem>>
        %dma_start3A_184 = tpu.memref_squeeze %dma_start3A_183 : memref<1x128x64xf32, #tpu.memory_space<vmem>> -> memref<128x64xf32, #tpu.memory_space<vmem>>
        tpu.enqueue_dma source(%dma_start3A_184 : memref<128x64xf32, #tpu.memory_space<vmem>>) target(%dma_start3A_180 : memref<128x64xf32, #tpu.memory_space<hbm>>) target_semaphore(%run_scoped3A_168 : memref<!tpu.dma_semaphore, #tpu.memory_space<semaphore_mem>>)
        %dma_wait3A_185 = arith.constant 0 : i32
        %dma_wait3A_186 = arith.constant 0 : i32
        %dma_wait3A_187 = tpu.memref_slice %arg6[%run_scoped3A_116, %dma_wait3A_185, %dma_wait3A_186] : memref<5x128x64xf32, #tpu.memory_space<vmem>> -> memref<1x128x64xf32, #tpu.memory_space<vmem>>
        %dma_wait3A_188 = tpu.memref_squeeze %dma_wait3A_187 : memref<1x128x64xf32, #tpu.memory_space<vmem>> -> memref<128x64xf32, #tpu.memory_space<vmem>>
        %dma_wait3A_189 = arith.constant 0 : i32
        %dma_wait3A_190 = arith.constant 0 : i32
        %dma_wait3A_191 = tpu.memref_slice %arg4[%add3A_115, %dma_wait3A_189, %dma_wait3A_190] : memref<800x128x64xf32, #tpu.memory_space<hbm>> -> memref<1x128x64xf32, #tpu.memory_space<hbm>>
        %dma_wait3A_192 = tpu.memref_squeeze %dma_wait3A_191 : memref<1x128x64xf32, #tpu.memory_space<hbm>> -> memref<128x64xf32, #tpu.memory_space<hbm>>
        %dma_wait3A_193 = arith.constant 0 : i32
        %dma_wait3A_194 = arith.constant 0 : i32
        %dma_wait3A_195 = tpu.memref_slice %arg4[%add3A_115, %dma_wait3A_193, %dma_wait3A_194] : memref<800x128x64xf32, #tpu.memory_space<hbm>> -> memref<1x128x64xf32, #tpu.memory_space<hbm>>
        %dma_wait3A_196 = tpu.memref_squeeze %dma_wait3A_195 : memref<1x128x64xf32, #tpu.memory_space<hbm>> -> memref<128x64xf32, #tpu.memory_space<hbm>>
        %dma_wait3A_197 = arith.constant 0 : i32
        %dma_wait3A_198 = arith.constant 0 : i32
        %dma_wait3A_199 = tpu.memref_slice %arg6[%run_scoped3A_116, %dma_wait3A_197, %dma_wait3A_198] : memref<5x128x64xf32, #tpu.memory_space<vmem>> -> memref<1x128x64xf32, #tpu.memory_space<vmem>>
        %dma_wait3A_200 = tpu.memref_squeeze %dma_wait3A_199 : memref<1x128x64xf32, #tpu.memory_space<vmem>> -> memref<128x64xf32, #tpu.memory_space<vmem>>
        tpu.wait_dma2 semaphore(%run_scoped3A_168 : memref<!tpu.dma_semaphore, #tpu.memory_space<semaphore_mem>>) src(%dma_wait3A_200 : memref<128x64xf32, #tpu.memory_space<vmem>>) dst(%dma_wait3A_196 : memref<128x64xf32, #tpu.memory_space<hbm>>)
        tpu.yield
      }) : () -> ()
      %lt3A_117 = arith.constant 4 : i32
      %lt3A_118 = arith.cmpi slt, %scan3A_57, %lt3A_117 : i32
      %convert_element_type3A_119 = arith.extui %lt3A_118 : i1 to i32
      %cond3A_120 = arith.constant 0 : i32
      %cond3A_121 = arith.cmpi ne, %convert_element_type3A_119, %cond3A_120 : i32
      scf.if %cond3A_121 {
        %add3A_168 = arith.constant 5 : i32
        %add3A_169 = arith.addi %add3A_102, %add3A_168 : i32
        %mul3A_170 = arith.constant 128 : i32
        %mul3A_171 = arith.muli %add3A_169, %mul3A_170 : i32
        %dma_start3A_172 = arith.constant 2 : i32
        %dma_start3A_173 = arith.constant 0 : i32
        %dma_start3A_174 = arith.constant 0 : i32
        %dma_start3A_175 = tpu.memref_slice %arg6[%dma_start3A_172, %dma_start3A_173, %dma_start3A_174] : memref<5x128x64xf32, #tpu.memory_space<vmem>> -> memref<1x128x64xf32, #tpu.memory_space<vmem>>
        %dma_start3A_176 = tpu.memref_squeeze %dma_start3A_175 : memref<1x128x64xf32, #tpu.memory_space<vmem>> -> memref<128x64xf32, #tpu.memory_space<vmem>>
        %dma_start3A_177 = tpu.memref_slice %arg5[%mul3A_171] : memref<3200xi32, #tpu.memory_space<vmem>> -> memref<128xi32, #tpu.memory_space<vmem>>
        %dma_start3A_178 = arith.constant 0 : i32
        %dma_start3A_179 = arith.constant 0 : i32
        %dma_start3A_180 = tpu.memref_slice %arg2[%dma_start3A_178, %dma_start3A_179] : memref<1000000x64xf32, #tpu.memory_space<hbm>> -> memref<1000000x64xf32, #tpu.memory_space<hbm>>
        tpu.enqueue_indirect_dma source(%dma_start3A_180 : memref<1000000x64xf32, #tpu.memory_space<hbm>>) target(%dma_start3A_176 : memref<128x64xf32, #tpu.memory_space<vmem>>) offsets(%dma_start3A_177 : memref<128xi32, #tpu.memory_space<vmem>>) semaphore(%arg7 : memref<!tpu.dma_semaphore, #tpu.memory_space<semaphore_mem>>)
      } else {
      }
      %mul3A_122 = arith.constant 5 : i32
      %mul3A_123 = arith.muli %scan3A_57, %mul3A_122 : i32
      %add3A_124 = arith.constant 3 : i32
      %add3A_125 = arith.addi %mul3A_123, %add3A_124 : i32
      %dma_wait3A_126 = arith.constant 3 : i32
      %dma_wait3A_127 = arith.constant 0 : i32
      %dma_wait3A_128 = arith.constant 0 : i32
      %dma_wait3A_129 = tpu.memref_slice %arg6[%dma_wait3A_126, %dma_wait3A_127, %dma_wait3A_128] : memref<5x128x64xf32, #tpu.memory_space<vmem>> -> memref<1x128x64xf32, #tpu.memory_space<vmem>>
      %dma_wait3A_130 = tpu.memref_squeeze %dma_wait3A_129 : memref<1x128x64xf32, #tpu.memory_space<vmem>> -> memref<128x64xf32, #tpu.memory_space<vmem>>
      %dma_wait3A_131 = arith.constant 0 : i32
      %dma_wait3A_132 = tpu.memref_slice %arg5[%dma_wait3A_131] : memref<3200xi32, #tpu.memory_space<vmem>> -> memref<128xi32, #tpu.memory_space<vmem>>
      %dma_wait3A_133 = arith.constant 0 : i32
      %dma_wait3A_134 = arith.constant 0 : i32
      %dma_wait3A_135 = tpu.memref_slice %arg2[%dma_wait3A_133, %dma_wait3A_134] : memref<1000000x64xf32, #tpu.memory_space<hbm>> -> memref<1000000x64xf32, #tpu.memory_space<hbm>>
      tpu.wait_indirect_dma semaphore(%arg7 : memref<!tpu.dma_semaphore, #tpu.memory_space<semaphore_mem>>) src(%dma_wait3A_135 : memref<1000000x64xf32, #tpu.memory_space<hbm>>) dst(%dma_wait3A_130 : memref<128x64xf32, #tpu.memory_space<vmem>>)
      %mul3A_136 = arith.constant 25 : i32
      %mul3A_137 = arith.muli %add3A, %mul3A_136 : i32
      %add3A_138 = arith.addi %mul3A_137, %add3A_125 : i32
      %run_scoped3A_139 = arith.constant 3 : i32
      "tpu.region"() ({
        %run_scoped3A_168 = tpu.sem_alloc : memref<!tpu.dma_semaphore, #tpu.memory_space<semaphore_mem>>
        %dma_start3A_169 = arith.constant 0 : i32
        %dma_start3A_170 = arith.constant 0 : i32
        %dma_start3A_171 = tpu.memref_slice %arg6[%run_scoped3A_139, %dma_start3A_169, %dma_start3A_170] : memref<5x128x64xf32, #tpu.memory_space<vmem>> -> memref<1x128x64xf32, #tpu.memory_space<vmem>>
        %dma_start3A_172 = tpu.memref_squeeze %dma_start3A_171 : memref<1x128x64xf32, #tpu.memory_space<vmem>> -> memref<128x64xf32, #tpu.memory_space<vmem>>
        %dma_start3A_173 = arith.constant 0 : i32
        %dma_start3A_174 = arith.constant 0 : i32
        %dma_start3A_175 = tpu.memref_slice %arg4[%add3A_138, %dma_start3A_173, %dma_start3A_174] : memref<800x128x64xf32, #tpu.memory_space<hbm>> -> memref<1x128x64xf32, #tpu.memory_space<hbm>>
        %dma_start3A_176 = tpu.memref_squeeze %dma_start3A_175 : memref<1x128x64xf32, #tpu.memory_space<hbm>> -> memref<128x64xf32, #tpu.memory_space<hbm>>
        %dma_start3A_177 = arith.constant 0 : i32
        %dma_start3A_178 = arith.constant 0 : i32
        %dma_start3A_179 = tpu.memref_slice %arg4[%add3A_138, %dma_start3A_177, %dma_start3A_178] : memref<800x128x64xf32, #tpu.memory_space<hbm>> -> memref<1x128x64xf32, #tpu.memory_space<hbm>>
        %dma_start3A_180 = tpu.memref_squeeze %dma_start3A_179 : memref<1x128x64xf32, #tpu.memory_space<hbm>> -> memref<128x64xf32, #tpu.memory_space<hbm>>
        %dma_start3A_181 = arith.constant 0 : i32
        %dma_start3A_182 = arith.constant 0 : i32
        %dma_start3A_183 = tpu.memref_slice %arg6[%run_scoped3A_139, %dma_start3A_181, %dma_start3A_182] : memref<5x128x64xf32, #tpu.memory_space<vmem>> -> memref<1x128x64xf32, #tpu.memory_space<vmem>>
        %dma_start3A_184 = tpu.memref_squeeze %dma_start3A_183 : memref<1x128x64xf32, #tpu.memory_space<vmem>> -> memref<128x64xf32, #tpu.memory_space<vmem>>
        tpu.enqueue_dma source(%dma_start3A_184 : memref<128x64xf32, #tpu.memory_space<vmem>>) target(%dma_start3A_180 : memref<128x64xf32, #tpu.memory_space<hbm>>) target_semaphore(%run_scoped3A_168 : memref<!tpu.dma_semaphore, #tpu.memory_space<semaphore_mem>>)
        %dma_wait3A_185 = arith.constant 0 : i32
        %dma_wait3A_186 = arith.constant 0 : i32
        %dma_wait3A_187 = tpu.memref_slice %arg6[%run_scoped3A_139, %dma_wait3A_185, %dma_wait3A_186] : memref<5x128x64xf32, #tpu.memory_space<vmem>> -> memref<1x128x64xf32, #tpu.memory_space<vmem>>
        %dma_wait3A_188 = tpu.memref_squeeze %dma_wait3A_187 : memref<1x128x64xf32, #tpu.memory_space<vmem>> -> memref<128x64xf32, #tpu.memory_space<vmem>>
        %dma_wait3A_189 = arith.constant 0 : i32
        %dma_wait3A_190 = arith.constant 0 : i32
        %dma_wait3A_191 = tpu.memref_slice %arg4[%add3A_138, %dma_wait3A_189, %dma_wait3A_190] : memref<800x128x64xf32, #tpu.memory_space<hbm>> -> memref<1x128x64xf32, #tpu.memory_space<hbm>>
        %dma_wait3A_192 = tpu.memref_squeeze %dma_wait3A_191 : memref<1x128x64xf32, #tpu.memory_space<hbm>> -> memref<128x64xf32, #tpu.memory_space<hbm>>
        %dma_wait3A_193 = arith.constant 0 : i32
        %dma_wait3A_194 = arith.constant 0 : i32
        %dma_wait3A_195 = tpu.memref_slice %arg4[%add3A_138, %dma_wait3A_193, %dma_wait3A_194] : memref<800x128x64xf32, #tpu.memory_space<hbm>> -> memref<1x128x64xf32, #tpu.memory_space<hbm>>
        %dma_wait3A_196 = tpu.memref_squeeze %dma_wait3A_195 : memref<1x128x64xf32, #tpu.memory_space<hbm>> -> memref<128x64xf32, #tpu.memory_space<hbm>>
        %dma_wait3A_197 = arith.constant 0 : i32
        %dma_wait3A_198 = arith.constant 0 : i32
        %dma_wait3A_199 = tpu.memref_slice %arg6[%run_scoped3A_139, %dma_wait3A_197, %dma_wait3A_198] : memref<5x128x64xf32, #tpu.memory_space<vmem>> -> memref<1x128x64xf32, #tpu.memory_space<vmem>>
        %dma_wait3A_200 = tpu.memref_squeeze %dma_wait3A_199 : memref<1x128x64xf32, #tpu.memory_space<vmem>> -> memref<128x64xf32, #tpu.memory_space<vmem>>
        tpu.wait_dma2 semaphore(%run_scoped3A_168 : memref<!tpu.dma_semaphore, #tpu.memory_space<semaphore_mem>>) src(%dma_wait3A_200 : memref<128x64xf32, #tpu.memory_space<vmem>>) dst(%dma_wait3A_196 : memref<128x64xf32, #tpu.memory_space<hbm>>)
        tpu.yield
      }) : () -> ()
      %lt3A_140 = arith.constant 4 : i32
      %lt3A_141 = arith.cmpi slt, %scan3A_57, %lt3A_140 : i32
      %convert_element_type3A_142 = arith.extui %lt3A_141 : i1 to i32
      %cond3A_143 = arith.constant 0 : i32
      %cond3A_144 = arith.cmpi ne, %convert_element_type3A_142, %cond3A_143 : i32
      scf.if %cond3A_144 {
        %add3A_168 = arith.constant 5 : i32
        %add3A_169 = arith.addi %add3A_125, %add3A_168 : i32
        %mul3A_170 = arith.constant 128 : i32
        %mul3A_171 = arith.muli %add3A_169, %mul3A_170 : i32
        %dma_start3A_172 = arith.constant 3 : i32
        %dma_start3A_173 = arith.constant 0 : i32
        %dma_start3A_174 = arith.constant 0 : i32
        %dma_start3A_175 = tpu.memref_slice %arg6[%dma_start3A_172, %dma_start3A_173, %dma_start3A_174] : memref<5x128x64xf32, #tpu.memory_space<vmem>> -> memref<1x128x64xf32, #tpu.memory_space<vmem>>
        %dma_start3A_176 = tpu.memref_squeeze %dma_start3A_175 : memref<1x128x64xf32, #tpu.memory_space<vmem>> -> memref<128x64xf32, #tpu.memory_space<vmem>>
        %dma_start3A_177 = tpu.memref_slice %arg5[%mul3A_171] : memref<3200xi32, #tpu.memory_space<vmem>> -> memref<128xi32, #tpu.memory_space<vmem>>
        %dma_start3A_178 = arith.constant 0 : i32
        %dma_start3A_179 = arith.constant 0 : i32
        %dma_start3A_180 = tpu.memref_slice %arg2[%dma_start3A_178, %dma_start3A_179] : memref<1000000x64xf32, #tpu.memory_space<hbm>> -> memref<1000000x64xf32, #tpu.memory_space<hbm>>
        tpu.enqueue_indirect_dma source(%dma_start3A_180 : memref<1000000x64xf32, #tpu.memory_space<hbm>>) target(%dma_start3A_176 : memref<128x64xf32, #tpu.memory_space<vmem>>) offsets(%dma_start3A_177 : memref<128xi32, #tpu.memory_space<vmem>>) semaphore(%arg7 : memref<!tpu.dma_semaphore, #tpu.memory_space<semaphore_mem>>)
      } else {
      }
      %mul3A_145 = arith.constant 5 : i32
      %mul3A_146 = arith.muli %scan3A_57, %mul3A_145 : i32
      %add3A_147 = arith.constant 4 : i32
      %add3A_148 = arith.addi %mul3A_146, %add3A_147 : i32
      %dma_wait3A_149 = arith.constant 4 : i32
      %dma_wait3A_150 = arith.constant 0 : i32
      %dma_wait3A_151 = arith.constant 0 : i32
      %dma_wait3A_152 = tpu.memref_slice %arg6[%dma_wait3A_149, %dma_wait3A_150, %dma_wait3A_151] : memref<5x128x64xf32, #tpu.memory_space<vmem>> -> memref<1x128x64xf32, #tpu.memory_space<vmem>>
      %dma_wait3A_153 = tpu.memref_squeeze %dma_wait3A_152 : memref<1x128x64xf32, #tpu.memory_space<vmem>> -> memref<128x64xf32, #tpu.memory_space<vmem>>
      %dma_wait3A_154 = arith.constant 0 : i32
      %dma_wait3A_155 = tpu.memref_slice %arg5[%dma_wait3A_154] : memref<3200xi32, #tpu.memory_space<vmem>> -> memref<128xi32, #tpu.memory_space<vmem>>
      %dma_wait3A_156 = arith.constant 0 : i32
      %dma_wait3A_157 = arith.constant 0 : i32
      %dma_wait3A_158 = tpu.memref_slice %arg2[%dma_wait3A_156, %dma_wait3A_157] : memref<1000000x64xf32, #tpu.memory_space<hbm>> -> memref<1000000x64xf32, #tpu.memory_space<hbm>>
      tpu.wait_indirect_dma semaphore(%arg7 : memref<!tpu.dma_semaphore, #tpu.memory_space<semaphore_mem>>) src(%dma_wait3A_158 : memref<1000000x64xf32, #tpu.memory_space<hbm>>) dst(%dma_wait3A_153 : memref<128x64xf32, #tpu.memory_space<vmem>>)
      %mul3A_159 = arith.constant 25 : i32
      %mul3A_160 = arith.muli %add3A, %mul3A_159 : i32
      %add3A_161 = arith.addi %mul3A_160, %add3A_148 : i32
      %run_scoped3A_162 = arith.constant 4 : i32
      "tpu.region"() ({
        %run_scoped3A_168 = tpu.sem_alloc : memref<!tpu.dma_semaphore, #tpu.memory_space<semaphore_mem>>
        %dma_start3A_169 = arith.constant 0 : i32
        %dma_start3A_170 = arith.constant 0 : i32
        %dma_start3A_171 = tpu.memref_slice %arg6[%run_scoped3A_162, %dma_start3A_169, %dma_start3A_170] : memref<5x128x64xf32, #tpu.memory_space<vmem>> -> memref<1x128x64xf32, #tpu.memory_space<vmem>>
        %dma_start3A_172 = tpu.memref_squeeze %dma_start3A_171 : memref<1x128x64xf32, #tpu.memory_space<vmem>> -> memref<128x64xf32, #tpu.memory_space<vmem>>
        %dma_start3A_173 = arith.constant 0 : i32
        %dma_start3A_174 = arith.constant 0 : i32
        %dma_start3A_175 = tpu.memref_slice %arg4[%add3A_161, %dma_start3A_173, %dma_start3A_174] : memref<800x128x64xf32, #tpu.memory_space<hbm>> -> memref<1x128x64xf32, #tpu.memory_space<hbm>>
        %dma_start3A_176 = tpu.memref_squeeze %dma_start3A_175 : memref<1x128x64xf32, #tpu.memory_space<hbm>> -> memref<128x64xf32, #tpu.memory_space<hbm>>
        %dma_start3A_177 = arith.constant 0 : i32
        %dma_start3A_178 = arith.constant 0 : i32
        %dma_start3A_179 = tpu.memref_slice %arg4[%add3A_161, %dma_start3A_177, %dma_start3A_178] : memref<800x128x64xf32, #tpu.memory_space<hbm>> -> memref<1x128x64xf32, #tpu.memory_space<hbm>>
        %dma_start3A_180 = tpu.memref_squeeze %dma_start3A_179 : memref<1x128x64xf32, #tpu.memory_space<hbm>> -> memref<128x64xf32, #tpu.memory_space<hbm>>
        %dma_start3A_181 = arith.constant 0 : i32
        %dma_start3A_182 = arith.constant 0 : i32
        %dma_start3A_183 = tpu.memref_slice %arg6[%run_scoped3A_162, %dma_start3A_181, %dma_start3A_182] : memref<5x128x64xf32, #tpu.memory_space<vmem>> -> memref<1x128x64xf32, #tpu.memory_space<vmem>>
        %dma_start3A_184 = tpu.memref_squeeze %dma_start3A_183 : memref<1x128x64xf32, #tpu.memory_space<vmem>> -> memref<128x64xf32, #tpu.memory_space<vmem>>
        tpu.enqueue_dma source(%dma_start3A_184 : memref<128x64xf32, #tpu.memory_space<vmem>>) target(%dma_start3A_180 : memref<128x64xf32, #tpu.memory_space<hbm>>) target_semaphore(%run_scoped3A_168 : memref<!tpu.dma_semaphore, #tpu.memory_space<semaphore_mem>>)
        %dma_wait3A_185 = arith.constant 0 : i32
        %dma_wait3A_186 = arith.constant 0 : i32
        %dma_wait3A_187 = tpu.memref_slice %arg6[%run_scoped3A_162, %dma_wait3A_185, %dma_wait3A_186] : memref<5x128x64xf32, #tpu.memory_space<vmem>> -> memref<1x128x64xf32, #tpu.memory_space<vmem>>
        %dma_wait3A_188 = tpu.memref_squeeze %dma_wait3A_187 : memref<1x128x64xf32, #tpu.memory_space<vmem>> -> memref<128x64xf32, #tpu.memory_space<vmem>>
        %dma_wait3A_189 = arith.constant 0 : i32
        %dma_wait3A_190 = arith.constant 0 : i32
        %dma_wait3A_191 = tpu.memref_slice %arg4[%add3A_161, %dma_wait3A_189, %dma_wait3A_190] : memref<800x128x64xf32, #tpu.memory_space<hbm>> -> memref<1x128x64xf32, #tpu.memory_space<hbm>>
        %dma_wait3A_192 = tpu.memref_squeeze %dma_wait3A_191 : memref<1x128x64xf32, #tpu.memory_space<hbm>> -> memref<128x64xf32, #tpu.memory_space<hbm>>
        %dma_wait3A_193 = arith.constant 0 : i32
        %dma_wait3A_194 = arith.constant 0 : i32
        %dma_wait3A_195 = tpu.memref_slice %arg4[%add3A_161, %dma_wait3A_193, %dma_wait3A_194] : memref<800x128x64xf32, #tpu.memory_space<hbm>> -> memref<1x128x64xf32, #tpu.memory_space<hbm>>
        %dma_wait3A_196 = tpu.memref_squeeze %dma_wait3A_195 : memref<1x128x64xf32, #tpu.memory_space<hbm>> -> memref<128x64xf32, #tpu.memory_space<hbm>>
        %dma_wait3A_197 = arith.constant 0 : i32
        %dma_wait3A_198 = arith.constant 0 : i32
        %dma_wait3A_199 = tpu.memref_slice %arg6[%run_scoped3A_162, %dma_wait3A_197, %dma_wait3A_198] : memref<5x128x64xf32, #tpu.memory_space<vmem>> -> memref<1x128x64xf32, #tpu.memory_space<vmem>>
        %dma_wait3A_200 = tpu.memref_squeeze %dma_wait3A_199 : memref<1x128x64xf32, #tpu.memory_space<vmem>> -> memref<128x64xf32, #tpu.memory_space<vmem>>
        tpu.wait_dma2 semaphore(%run_scoped3A_168 : memref<!tpu.dma_semaphore, #tpu.memory_space<semaphore_mem>>) src(%dma_wait3A_200 : memref<128x64xf32, #tpu.memory_space<vmem>>) dst(%dma_wait3A_196 : memref<128x64xf32, #tpu.memory_space<hbm>>)
        tpu.yield
      }) : () -> ()
      %lt3A_163 = arith.constant 4 : i32
      %lt3A_164 = arith.cmpi slt, %scan3A_57, %lt3A_163 : i32
      %convert_element_type3A_165 = arith.extui %lt3A_164 : i1 to i32
      %cond3A_166 = arith.constant 0 : i32
      %cond3A_167 = arith.cmpi ne, %convert_element_type3A_165, %cond3A_166 : i32
      scf.if %cond3A_167 {
        %add3A_168 = arith.constant 5 : i32
        %add3A_169 = arith.addi %add3A_148, %add3A_168 : i32
        %mul3A_170 = arith.constant 128 : i32
        %mul3A_171 = arith.muli %add3A_169, %mul3A_170 : i32
        %dma_start3A_172 = arith.constant 4 : i32
        %dma_start3A_173 = arith.constant 0 : i32
        %dma_start3A_174 = arith.constant 0 : i32
        %dma_start3A_175 = tpu.memref_slice %arg6[%dma_start3A_172, %dma_start3A_173, %dma_start3A_174] : memref<5x128x64xf32, #tpu.memory_space<vmem>> -> memref<1x128x64xf32, #tpu.memory_space<vmem>>
        %dma_start3A_176 = tpu.memref_squeeze %dma_start3A_175 : memref<1x128x64xf32, #tpu.memory_space<vmem>> -> memref<128x64xf32, #tpu.memory_space<vmem>>
        %dma_start3A_177 = tpu.memref_slice %arg5[%mul3A_171] : memref<3200xi32, #tpu.memory_space<vmem>> -> memref<128xi32, #tpu.memory_space<vmem>>
        %dma_start3A_178 = arith.constant 0 : i32
        %dma_start3A_179 = arith.constant 0 : i32
        %dma_start3A_180 = tpu.memref_slice %arg2[%dma_start3A_178, %dma_start3A_179] : memref<1000000x64xf32, #tpu.memory_space<hbm>> -> memref<1000000x64xf32, #tpu.memory_space<hbm>>
        tpu.enqueue_indirect_dma source(%dma_start3A_180 : memref<1000000x64xf32, #tpu.memory_space<hbm>>) target(%dma_start3A_176 : memref<128x64xf32, #tpu.memory_space<vmem>>) offsets(%dma_start3A_177 : memref<128xi32, #tpu.memory_space<vmem>>) semaphore(%arg7 : memref<!tpu.dma_semaphore, #tpu.memory_space<semaphore_mem>>)
      } else {
      }
    }
    %scan3A_56 = arith.constant 5 : i32
    return
  }
}

module attributes {stable_mosaic.version = 14 : i64} {
  func.func @_tc_body(%arg0: i32, %arg1: memref<2048x128xf32, #tpu.memory_space<vmem>>, %arg2: memref<2048x128xf32, #tpu.memory_space<vmem>>, %arg3: memref<128x128xf32, #tpu.memory_space<vmem>>, %arg4: memref<2x128xf32, #tpu.memory_space<vmem>>, %arg5: memref<2048xf32, #tpu.memory_space<vmem>>, %arg6: memref<2048xf32, #tpu.memory_space<vmem>>) attributes {dimension_semantics = [#tpu.dimension_semantics<arbitrary>], iteration_bounds = array<i64: 25>, scalar_prefetch = 0 : i64, scratch_operands = 0 : i64, tpu.core_type = #tpu.core_type<tc>, window_params = [{transform_indices = @transform_0, window_bounds = array<i64: 2048, 128>}, {transform_indices = @transform_1, window_bounds = array<i64: 2048, 128>}, {pipeline_mode = #tpu.pipeline_mode<synchronous>, transform_indices = @transform_2, window_bounds = array<i64: 128, 128>}, {pipeline_mode = #tpu.pipeline_mode<synchronous>, transform_indices = @transform_3, window_bounds = array<i64: 2, 128>}, {transform_indices = @transform_4, window_bounds = array<i64: 2048>}, {transform_indices = @transform_5, window_bounds = array<i64: 2048>}]} {
    %get3A = arith.constant 0 : index
    %get3A_0 = arith.constant 0 : index
    %get3A_1 = vector.load %arg1[%get3A, %get3A_0] : memref<2048x128xf32, #tpu.memory_space<vmem>>, vector<2048x128xf32>
    %get3A_2 = arith.constant 0 : index
    %get3A_3 = arith.constant 0 : index
    %get3A_4 = vector.load %arg2[%get3A_2, %get3A_3] : memref<2048x128xf32, #tpu.memory_space<vmem>>, vector<2048x128xf32>
    %get3A_5 = arith.constant 0 : index
    %get3A_6 = arith.constant 0 : index
    %get3A_7 = vector.load %arg3[%get3A_5, %get3A_6] : memref<128x128xf32, #tpu.memory_space<vmem>>, vector<128x128xf32>
    %dot_general3A = arith.constant dense<0.000000e+00> : vector<2048x128xf32>
    %dot_general3A_8 = tpu.matmul %get3A_1, %get3A_7, %dot_general3A {dimension_numbers = #tpu.dot_dimension_numbers<[1], [0], [0], [1], [0, 0, 1, 1], [], []>, transpose_lhs_hint = false} : vector<2048x128xf32>, vector<128x128xf32>, vector<2048x128xf32> -> vector<2048x128xf32>
    %get3A_9 = arith.constant 0 : index
    %get3A_10 = arith.constant 0 : index
    %get3A_11 = vector.load %arg4[%get3A_9, %get3A_10] : memref<2x128xf32, #tpu.memory_space<vmem>>, vector<2x128xf32>
    %slice3A = vector.extract_strided_slice %get3A_11 {offsets = [0, 0], sizes = [1, 128], strides = [1, 1]} : vector<2x128xf32> to vector<1x128xf32>
    %add3A = vector.broadcast %slice3A : vector<1x128xf32> to vector<2048x128xf32>
    %add3A_12 = arith.addf %dot_general3A_8, %add3A : vector<2048x128xf32>
    %mul3A = arith.mulf %add3A_12, %get3A_4 : vector<2048x128xf32>
    %slice3A_13 = vector.extract_strided_slice %get3A_11 {offsets = [1, 0], sizes = [1, 128], strides = [1, 1]} : vector<2x128xf32> to vector<1x128xf32>
    %mul3A_14 = vector.broadcast %slice3A_13 : vector<1x128xf32> to vector<2048x128xf32>
    %mul3A_15 = arith.mulf %get3A_1, %mul3A_14 : vector<2048x128xf32>
    %add3A_16 = arith.addf %mul3A, %mul3A_15 : vector<2048x128xf32>
    %slice3A_17 = vector.extract_strided_slice %add3A_16 {offsets = [0, 0], sizes = [2048, 64], strides = [1, 1]} : vector<2048x128xf32> to vector<2048x64xf32>
    %reduce_sum3A = arith.constant dense<0.000000e+00> : vector<2048xf32>
    %reduce_sum3A_18 = vector.multi_reduction <add>, %slice3A_17, %reduce_sum3A [1] : vector<2048x64xf32> to vector<2048xf32>
    %swap3A = arith.constant 0 : index
    %swap3A_19 = vector.load %arg5[%swap3A] : memref<2048xf32, #tpu.memory_space<vmem>>, vector<2048xf32>
    tpu.vector_store %arg5[%swap3A], %reduce_sum3A_18 {strides = array<i32>} : memref<2048xf32, #tpu.memory_space<vmem>>, vector<2048xf32>,
    %slice3A_20 = vector.extract_strided_slice %add3A_16 {offsets = [0, 64], sizes = [2048, 64], strides = [1, 1]} : vector<2048x128xf32> to vector<2048x64xf32>
    %reduce_sum3A_21 = arith.constant dense<0.000000e+00> : vector<2048xf32>
    %reduce_sum3A_22 = vector.multi_reduction <add>, %slice3A_20, %reduce_sum3A_21 [1] : vector<2048x64xf32> to vector<2048xf32>
    %swap3A_23 = arith.constant 0 : index
    %swap3A_24 = vector.load %arg6[%swap3A_23] : memref<2048xf32, #tpu.memory_space<vmem>>, vector<2048xf32>
    tpu.vector_store %arg6[%swap3A_23], %reduce_sum3A_22 {strides = array<i32>} : memref<2048xf32, #tpu.memory_space<vmem>>, vector<2048xf32>,
    return
  }
  func.func @transform_0(%arg0: i32) -> (i32, i32) {
    %c0_i32 = arith.constant 0 : i32
    %c0_i32_0 = arith.constant 0 : i32
    return %arg0, %c0_i32 : i32, i32
  }
  func.func @transform_1(%arg0: i32) -> (i32, i32) {
    %c0_i32 = arith.constant 0 : i32
    %c0_i32_0 = arith.constant 0 : i32
    return %arg0, %c0_i32 : i32, i32
  }
  func.func @transform_2(%arg0: i32) -> (i32, i32) {
    %c0_i32 = arith.constant 0 : i32
    %c0_i32_0 = arith.constant 0 : i32
    %c0_i32_1 = arith.constant 0 : i32
    return %c0_i32, %c0_i32_0 : i32, i32
  }
  func.func @transform_3(%arg0: i32) -> (i32, i32) {
    %c0_i32 = arith.constant 0 : i32
    %c0_i32_0 = arith.constant 0 : i32
    %c0_i32_1 = arith.constant 0 : i32
    return %c0_i32, %c0_i32_0 : i32, i32
  }
  func.func @transform_4(%arg0: i32) -> i32 {
    %c0_i32 = arith.constant 0 : i32
    return %arg0 : i32
  }
  func.func @transform_5(%arg0: i32) -> i32 {
    %c0_i32 = arith.constant 0 : i32
    return %arg0 : i32
  }
}

</mosaic_0001>

<sc_bundles>
// kernel: kernel.5.cloned.1.call-start
scs
__scs_entry_jumppad:
0x0: {  	(pc) =	sbr.rel $0x88, $3  }
0x1: {  	(tag) =	ssettag $0x0;
	lr =	simm.s32 $0x1  }
0x2: {  	[smem:$0x3F9C] =	sst lr;
	_ =	strace $0xD0000000  }
0x3: {  	_ = 	snop  }
0x4: {  	_ = 	snop  }
0x5: {  	_ = 	snop  }
0x6: {  	_ = 	snop  }
0x7: {  	_ = 	snop  }
__scs_overlays_trampoline_lowered:
0x8: {  	[smem:$0x3FAB] =	sst s0  }
0x9: {  	[smem:$0x3FAC] =	sst s1  }
0xa: {  	[smem:$0x3FAD] =	sst s2  }
0xb: {  	[smem:$0x3FAE] =	sst s3  }
0xc: {  	[smem:$0x3FAF] =	sst s4  }
0xd: {  	[smem:$0x3FB0] =	sst s5  }
0xe: {  	[smem:$0x3FB1] =	sst s6  }
0xf: {  	[smem:$0x3FB2] =	sst s7  }
0x10: {  	[smem:$0x3FB3] =	sst s8  }
0x11: {  	[smem:$0x3FB4] =	sst s9;
	s0 =	simm.s32 @!p0 $0x0  }
0x12: {  	s1 =	sld [smem:$0x3F9A];
	s0 =	simm.s32 @p0 $0x1  }
0x13: {  	[smem:$0x3FB5] =	sst s0;
	s0 =	simm.s32 @!p1 $0x0  }
0x14: {  	s2 =	sld [smem:$0x3F99];
	s0 =	simm.s32 @p1 $0x1  }
0x15: {  	[smem:$0x3FB6] =	sst s0;
	s0 =	simm.s32 @!p2 $0x0  }
0x16: {  	s3 =	sld [smem:$0x3FDB];
	s0 =	simm.s32 @p2 $0x1  }
0x17: {  	s4 =	simm.s32 $0x1BF5;
	[smem:$0x3FB8] =	sst s0  }
0x18: {  	s0 =	sld [smem:$0x3F9B];
	_ =	swait.ge [sflag:s4], $0x0  }
0x19: {  	s7 =	sld [smem:$0x3F9C]  }
0x1a: {  	s8 =	sadd.s32 $0xFFFFE003, lr  }
0x1b: {  	s9 =	sadd.s32 $0xFFFFFEF7, lr;
	s5 =	simm.s32 $0xFFFFFFFF;
	p2 =	slt.u32 s8, $0xFFFFF086  }
0x1c: {  	p1 =	slt.u32 s9, $0xF7A;
	s5 =	simm.s32 @!p2 $0x0  }
0x1d: {  	s5 =	simm.s32 @p1 $0x1;
	p0 =	seq.s32 s7, s2  }
0x1e: {  	s7 =	smul.u32 @!p0 $0xF7A, s2;
	p2 =	seq.s32 @!p0 s5, $0x0  }
0x1f: {  	s9 =	smul.u32 $0xF7A, s1;
	s8 =	simm.s32 @!p0 $0x1BF5;
	p2 =	por !p2, p0  }
0x20: {  	[sflag:s8] =	ssyncset.s32 @!p0 $0xFFFFF086;
	s6 =	sadd.s32 @!p0 s3, s7;
	s7 =	simm.s32 @!p0 $0x108  }
0x21: {  	s3 =	sadd.s32 s3, s9;
	s6 =	sadd.s32 @!p0 $0x88, s6;
	s7 =	simm.s32 @p2 $0x1082  }
0x22: {  	[simem:s7], [sflag:s8] =	dma.local @!p0 [hbm:s6], $0xF7A  }
0x23: {  	s9 =	sor.u32 $0xD0000000, s2;
	s6 =	simm.s32 $0x108;
	_ =	swait.ge @!p0 [sflag:s8], $0x0  }
0x24: {  	s3 =	sadd.s32 $0x88, s3;
	s6 =	simm.s32 @!p1 $0x1082;
	[sflag:s4] =	ssyncset.s32 $0xFFFFF086  }
0x25: {  	[simem:s6], [sflag:s4] =	dma.local [hbm:s3], $0xF7A  }
0x26: {  	[smem:$0x3F9C] =	sst s1;
	(tag) =	ssettag s2;
	_ =	strace s9  }
0x27: {  	s1 =	sld [smem:$0x3FAC]  }
0x28: {  	s2 =	sld [smem:$0x3FAD]  }
0x29: {  	s4 =	sld [smem:$0x3FAF]  }
0x2a: {  	p0 =	seq.s32 s5, $0x0;
	s5 =	sld [smem:$0x3FB0]  }
0x2b: {  	s6 =	sld [smem:$0x3FB1]  }
0x2c: {  	s7 =	sld [smem:$0x3FB2]  }
0x2d: {  	s3 =	simm.s32 $0x108;
	s8 =	sld [smem:$0x3FB3]  }
0x2e: {  	s3 =	simm.s32 @!p0 $0x1082;
	s9 =	sld [smem:$0x3FB4]  }
0x2f: {  	lr =	sadd.s32 s0, s3;
	s0 =	sld [smem:$0x3FAB]  }
0x30: {  	s3 =	sld [smem:$0x3FAE]  }
0x31: {  	[smem:$0x3FB7] =	sst s10  }
0x32: {  	s10 =	sld [smem:$0x3FB5];
	_ =	sdelay $0x3  }
0x33: {  	p0 =	seq.s32 s10, $0x1;
	s10 =	sld [smem:$0x3FB7];
	_ =	sdelay $0x3  }
0x34: {  	[smem:$0x3FB7] =	sst s10  }
0x35: {  	s10 =	sld [smem:$0x3FB6];
	_ =	sdelay $0x3  }
0x36: {  	p1 =	seq.s32 s10, $0x1;
	s10 =	sld [smem:$0x3FB7];
	_ =	sdelay $0x3  }
0x37: {  	[smem:$0x3FB7] =	sst s10  }
0x38: {  	s10 =	sld [smem:$0x3FB8]  }
0x39: {  	_ = 	snop;
	(pc) =	sbr.ind lr, $3  }
0x3a: {  	_ = 	snop  }
0x3b: {  	_ = 	snop  }
0x3c: {  	p2 =	seq.s32 s10, $0x1;
	s10 =	sld [smem:$0x3FB7]  }
0x3d: {  	_ =	shalt  }
0x3e: {  	_ =	shalt  }
0x3f: {  	_ =	shalt  }
0x40: {  	_ =	shalt  }
0x41: {  	_ =	shalt  }
0x42: {  	_ =	shalt  }
0x43: {  	_ =	shalt  }
0x44: {  	_ =	shalt  }
0x45: {  	_ =	shalt  }
0x46: {  	_ =	shalt  }
0x47: {  	_ =	shalt  }
0x48: {  	_ =	shalt  }
0x49: {  	_ =	shalt  }
0x4a: {  	_ =	shalt  }
0x4b: {  	_ =	shalt  }
0x4c: {  	_ =	shalt  }
0x4d: {  	_ =	shalt  }
0x4e: {  	_ =	shalt  }
0x4f: {  	_ =	shalt  }
0x50: {  	_ =	shalt  }
0x51: {  	_ =	shalt  }
0x52: {  	_ =	shalt  }
0x53: {  	_ =	shalt  }
0x54: {  	_ =	shalt  }
0x55: {  	_ =	shalt  }
0x56: {  	_ =	shalt  }
0x57: {  	_ =	shalt  }
0x58: {  	_ =	shalt  }
0x59: {  	_ =	shalt  }
0x5a: {  	_ =	shalt  }
0x5b: {  	_ =	shalt  }
0x5c: {  	_ =	shalt  }
0x5d: {  	_ =	shalt  }
0x5e: {  	_ =	shalt  }
0x5f: {  	_ =	shalt  }
0x60: {  	_ =	shalt  }
0x61: {  	_ =	shalt  }
0x62: {  	_ =	shalt  }
0x63: {  	_ =	shalt  }
0x64: {  	_ =	shalt  }
0x65: {  	_ =	shalt  }
0x66: {  	_ =	shalt  }
0x67: {  	_ =	shalt  }
0x68: {  	_ =	shalt  }
0x69: {  	_ =	shalt  }
0x6a: {  	_ =	shalt  }
0x6b: {  	_ =	shalt  }
0x6c: {  	_ =	shalt  }
0x6d: {  	_ =	shalt  }
0x6e: {  	_ =	shalt  }
0x6f: {  	_ =	shalt  }
0x70: {  	_ =	shalt  }
0x71: {  	_ =	shalt  }
0x72: {  	_ =	shalt  }
0x73: {  	_ =	shalt  }
0x74: {  	_ =	shalt  }
0x75: {  	_ =	shalt  }
0x76: {  	_ =	shalt  }
0x77: {  	_ =	shalt  }
0x78: {  	_ =	shalt  }
0x79: {  	_ =	shalt  }
0x7a: {  	_ =	shalt  }
0x7b: {  	_ =	shalt  }
0x7c: {  	_ =	shalt  }
0x7d: {  	_ =	shalt  }
0x7e: {  	_ =	shalt  }
0x7f: {  	_ =	shalt  }
0x80: {  	_ =	shalt  }
0x81: {  	_ =	shalt  }
0x82: {  	_ =	shalt  }
0x83: {  	_ =	shalt  }
0x84: {  	_ =	shalt  }
0x85: {  	_ =	shalt  }
0x86: {  	_ =	shalt  }
0x87: {  	_ =	shalt  }
.Lfunc_end0:
.L_simem_size_0:
called_computation_lowered:
.L_overlay_start_0:
0x88: {  	s2 =	sld [smem:$0x3FD9]  }
0x89: {  	s3 =	sld [smem:$0x3FFE];
	_ =	sdelay $0x1  }
0x8a: {  	s1 =	srdreg.scid  }
0x8b: {  	s0 =	sand.u32 $0x1, s1  }
0x8c: {  	s16 =	sshll.u32 s0, $0xA;
	s2 =	sadd.s32 s3, s2  }
0x8d: {  	s2 =	sadd.s32 s2, s16  }
0x8e: {  	[smem:$0x3FC3] =	sst s2  }
0x8f: {  	_ = 	snop  }
0x90: {  	(tm) =	ssettm $0x1  }
0x91: {  	s17 =	sld [smem:$0x3FFB];
	_ =	sdelay $0x3  }
0x92: {  	_ =	strace s17  }
0x93: {  	s2 =	sld [smem:$0x3FFC];
	_ =	sdelay $0x3  }
0x94: {  	_ =	strace s2  }
0x95: {  	s2 =	sld [smem:$0x3FFD];
	_ =	sdelay $0x3  }
0x96: {  	_ =	strace s2  }
0x97: {  	_ =	strace $0x8FFFFFFF  }
0x98: {  	s18 =	sld [smem:$0x3FDB];
	_ =	sdelay $0x1  }
0x99: {  	s19 =	simm.s32 $_scs_section_size  }
0x9a: {  	s4 =	simm.s32 $_size__tile_overlayer_lowered;
	s5 =	simm.s32 $_tile_overlayer_lowered  }
0x9b: {  	s22 =	simm.s32 $0x1BFF;
	s21 =	sshll.u32 s5, $0x1;
	s2 =	sadd.s32 s19, s18  }
0x9c: {  	s6 =	simm.s32 $0x0;
	s20 =	sshll.u32 s4, $0x1;
	s4 =	sadd.s32 s21, s2  }
0x9d: {  	[timem:s6], [sflag:s22] =	dma.local [hbm:s4], s20  }
0x9e: {  	_ =	swait.ge [sflag:s22], s20  }
0x9f: {  	s3 =	ssub.s32 $0x0, s20;
	[sflag:s22] =	ssyncset.done $0x0  }
0xa0: {  	[sflag:s22] =	ssyncadd.s32 s3;
	_ =	sdelay $0x1  }
0xa1: {  	s23 =	simm.s32 $0x1B8B  }
0xa2: {  	_ =	swait.ge [sflag:s23], $0x1  }
0xa3: {  	[sflag:s23] =	ssyncset.done $0x0  }
0xa4: {  	s25 =	simm.s32 $0x1B8E;
	s24 =	sld [smem:$0x3FFE];
	[sflag:s23] =	ssyncadd.s32 $0xFFFFFFFF  }
0xa5: {  	s26 =	simm.s32 $execute0_lowered;
	[smem:$0x3FD2] =	sst s25  }
0xa6: {  	s4 =	sshll.u32 s26, $0x1;
	_ =	strace $0x80000046;
	[dreg:$0x1] =	wrdreg $0xFFFFFFFF  }
0xa7: {  	s28 =	simm.s32 $_size_execute0_lowered;
	s2 =	sadd.s32 s2, s4;
	[dreg:$0x0] =	wrdreg $0x0  }
0xa8: {  	s4 =	sshll.u32 s28, $0x1;
	[dreg:$0x2] =	wrdreg s2  }
0xa9: {  	[dreg:$0x3] =	wrdreg s4  }
0xaa: {  	[dreg:$0x4] =	wrdreg $0xC0  }
0xab: {  	_ =	task [dreg:s6], $0x5FFFF  }
0xac: {  	[dreg:$0x1] =	wrdreg $0xFFFFFFFF  }
0xad: {  	[dreg:$0x0] =	wrdreg $0x60  }
0xae: {  	[dreg:$0x2] =	wrdreg s24  }
0xaf: {  	[dreg:$0x3] =	wrdreg $0x9  }
0xb0: {  	_ =	task.clear_ibuf [dreg:s6], $0x4FFFF;
	_ =	strace $0x90000046  }
0xb1: {  	s29 =	simm.s32 $0x9;
	_ =	strace $0x80000048  }
0xb2: {  	_ =	swait.ge [sflag:s29], $0x1  }
0xb3: {  	[sflag:s29] =	ssyncadd.s32 $0xFFFFFFFF  }
0xb4: {  	_ =	strace $0x90000048  }
0xb5: {  	_ =	sfence  }
0xb6: {  	s30 =	sld [smem:$0x0];
	_ =	sdelay $0x2  }
0xb7: {  	s31 =	sshll.u32 s1, $0xD;
	s1 =	sshrl.u32 s1, $0x2  }
0xb8: {  	s3 =	sand.u32 $0x4000, s31;
	s1 =	sadd.s32 s1, s30  }
0xb9: {  	s0 =	sor.u32 s3, s0;
	s1 =	sshll.u32 s1, $0x11  }
0xba: {  	s0 =	sor.u32 s1, s0  }
0xbb: {  	s0 =	sadd.s32 $0x8F2B, s0  }
0xbc: {  	[sflag:s0] =	ssyncadd.remote.s32 $0x1  }
0xbd: {  	_ =	sfence.sel $0xFFFF  }
0xbe: {  	[dreg:$0x0] =	wrdreg $0xFFFFFFFF;
	(pc) =	sbr.abs _section_cstart, $3  }
0xbf: {  	[dreg:$0x1] =	wrdreg $0xFFFFFFFF  }
0xc0: {  	_ =	task.clear_ibuf [dreg:s6], $0x2FFFF;
	_ =	strace $0x9FFFFFFF  }
0xc1: {  	(tm) =	ssettm $0x7FFFFFFF  }
tec
execute0_lowered:
.L_overlay_start_1:
0x0: {  	(tag) =	ssettag $0x1  }
0x1: {  	s1 =	srdreg.scid;
	s0 =	stileid.u32  }
0x2: {  	s4 =	rddreg [dreg:$0x0];
	s2 =	simm.s32 $0x0;
	s13 =	simm.s32 $0xC80  }
0x3: {  	s14 =	simm.s32 $0x2C80;
	s15 =	simm.s32 $0x100;
	s16 =	simm.s32 $0x4C80  }
0x4: {  	s17 =	simm.s32 $0x180;
	s18 =	simm.s32 $0x6C80;
	s19 =	simm.s32 $0x200  }
0x5: {  	s20 =	simm.s32 $0x8C80;
	s21 =	simm.s32 $0x1;
	s7 =	smul.u32 $0x32, s0  }
0x6: {  	s22 =	simm.s32 $0x0;
	s6 =	sand.u32 $0x1, s1;
	s30 =	smul.u32 $0xC800, s0  }
0x7: {  	s29 =	sshll.u32 s0, $0x1;
	[smem:$0x7FF] =	sst s2;
	s9 =	smul.u32 $0x19, s6  }
0x8: {  	s11 =	sadd.s32 $0x3E00, s4;
	s3 =	sor.u32 s6, s29;
	s12 =	smul.u32 $0x6400, s6  }
0x9: {  	_ =	strace $0x80000047;
	s8 =	ssub.s32 $0x2, s6;
	s5 =	smul.u32 $0x190, s3  }
0xa: {  	s3 =	sadd.s32 $0xF43000, s4;
	s10 =	sshrl.u32 s8, $0x1;
	s7 =	sadd.s32 s9, s7  }
.Ltmp0:
0xb: {  	s5 =	sadd.s32 s5, s4;
	s7 =	sshll.u32 s7, $0xA;
	(pc) =	sbr.rel .LBB2_1-.Ltmp0, $4  }
0xc: {  	s8 =	ssub.s32 s8, s10;
	s4 =	sadd.s32 $0xC00, s5;
	s31 =	sadd.s32 s11, s7  }
0xd: {  	s5 =	smax.u32 s8, $0x1;
	s11 =	sadd.s32 s30, s11;
	s6 =	sadd.s32 $0x1000, s31  }
0xe: {  	s7 =	sadd.s32 $0xC00, s31;
	s8 =	sadd.s32 $0x800, s31;
	s9 =	sadd.s32 $0x400, s31  }
0xf: {  	s10 =	sadd.s32 s12, s11;
	s11 =	simm.s32 $0x2;
	s12 =	simm.s32 $0x80  }
.LBB2_4:
0x10: {  	s22 =	sadd.s32 $0x1, s22  }
0x11: {  	p0 =	sne.s32 s22, s5  }
.Ltmp1:
0x12: {  	_ = 	snop;
	(pc) =	sbr.rel @!p0 .LBB2_5-.Ltmp1, $1  }
0x13: {  	_ =	sdelay $0x3  }
.LBB2_1:
0x14: {  	[tilespmem:s2], [sflag:$0x2] =	stream.linear.gather [hbm4b:s4+s2], $0xC80, $0x38;
	[tilespmem:$0xAC80] =	vst v63  }
0x15: {  	_ =	swait.ge [sflag:s11], $0xC80  }
0x16: {  	[sflag:s11] =	ssyncset.done $0x0  }
0x17: {  	[sflag:s11] =	ssyncadd.s32 $0xFFFFF380  }
0x18: {  	[tilespmem:s13], [sflag:$0x1] =	stream.indirect.gather [hbm4b:s3+s12], $0x40, s2, s12, $0xb8;
	[tilespmem:$0xAC80] =	vst v63  }
0x19: {  	_ = 	snop  }
0x1a: {  	[tilespmem:s14], [sflag:$0x1] =	stream.indirect.gather [hbm4b:s3+s12], $0x40, s12, s12, $0xb8;
	[tilespmem:$0xAC80] =	vst v63  }
0x1b: {  	_ = 	snop  }
0x1c: {  	[tilespmem:s16], [sflag:$0x1] =	stream.indirect.gather [hbm4b:s3+s12], $0x40, s15, s12, $0xb8;
	[tilespmem:$0xAC80] =	vst v63  }
0x1d: {  	s23 =	smov.u32 s10;
	s24 =	smov.u32 s9;
	s25 =	smov.u32 s8  }
0x1e: {  	[tilespmem:s18], [sflag:$0x1] =	stream.indirect.gather [hbm4b:s3+s12], $0x40, s17, s12, $0xb8;
	[tilespmem:$0xAC80] =	vst v63  }
0x1f: {  	s26 =	smov.u32 s7;
	s28 =	smov.u32 s6;
	s29 =	simm.s32 $0x0  }
0x20: {  	[tilespmem:s20], [sflag:$0x1] =	stream.indirect.gather [hbm4b:s3+s12], $0x40, s19, s12, $0xb8;
	[tilespmem:$0xAC80] =	vst v63  }
.LBB2_2:
0x21: {  	_ =	swait.ge [sflag:s21], $0x2000  }
0x22: {  	[sflag:s21] =	ssyncset.done $0x0  }
0x23: {  	[sflag:s21] =	ssyncadd.s32 $0xFFFFE000  }
0x24: {  	[hbm4b:s23+s2] =	stream.linear.scatter [tilespmem:s13], [sflag:$0x2], $0x2000, $0x38;
	[tilespmem:$0xAC80] =	vst v63  }
0x25: {  	p0 =	seq.s32 s29, $0x2800;
	_ =	swait.ge [sflag:s11], $0x2000  }
0x26: {  	s30 =	sshra.s32 @!p0 s29, $0x2;
	s1 =	simm.s32 @!p0 $0x80;
	[sflag:s11] =	ssyncset.done $0x0  }
0x27: {  	s0 =	simm.s32 @!p0 $0xC80;
	s31 =	sadd.s32 @!p0 $0x280, s30;
	[sflag:s11] =	ssyncadd.s32 $0xFFFFE000  }
0x28: {  	[tilespmem:s0], [sflag:$0x1] =	stream.indirect.gather @!p0 [hbm4b:s3+s1], $0x40, s31, s1, $0xb8;
	[tilespmem:$0xAC80] =	vst v63  }
0x29: {  	_ =	swait.ge [sflag:s21], $0x2000  }
0x2a: {  	[sflag:s21] =	ssyncset.done $0x0  }
0x2b: {  	[sflag:s21] =	ssyncadd.s32 $0xFFFFE000  }
0x2c: {  	[hbm4b:s24+s2] =	stream.linear.scatter [tilespmem:s14], [sflag:$0x2], $0x2000, $0x38;
	[tilespmem:$0xAC80] =	vst v63  }
0x2d: {  	_ =	swait.ge [sflag:s11], $0x2000  }
0x2e: {  	[sflag:s11] =	ssyncset.done $0x0  }
0x2f: {  	s0 =	sadd.s32 @!p0 $0x300, s30;
	s31 =	simm.s32 @!p0 $0x2C80;
	[sflag:s11] =	ssyncadd.s32 $0xFFFFE000  }
0x30: {  	[tilespmem:s31], [sflag:$0x1] =	stream.indirect.gather @!p0 [hbm4b:s3+s1], $0x40, s0, s1, $0xb8;
	[tilespmem:$0xAC80] =	vst v63  }
0x31: {  	_ =	swait.ge [sflag:s21], $0x2000  }
0x32: {  	[sflag:s21] =	ssyncset.done $0x0  }
0x33: {  	[sflag:s21] =	ssyncadd.s32 $0xFFFFE000  }
0x34: {  	[hbm4b:s25+s2] =	stream.linear.scatter [tilespmem:s16], [sflag:$0x2], $0x2000, $0x38;
	[tilespmem:$0xAC80] =	vst v63  }
0x35: {  	_ =	swait.ge [sflag:s11], $0x2000  }
0x36: {  	[sflag:s11] =	ssyncset.done $0x0  }
0x37: {  	s0 =	sadd.s32 @!p0 $0x380, s30;
	s31 =	simm.s32 @!p0 $0x4C80;
	[sflag:s11] =	ssyncadd.s32 $0xFFFFE000  }
0x38: {  	[tilespmem:s31], [sflag:$0x1] =	stream.indirect.gather @!p0 [hbm4b:s3+s1], $0x40, s0, s1, $0xb8;
	[tilespmem:$0xAC80] =	vst v63  }
0x39: {  	_ =	swait.ge [sflag:s21], $0x2000  }
0x3a: {  	[sflag:s21] =	ssyncset.done $0x0  }
0x3b: {  	[sflag:s21] =	ssyncadd.s32 $0xFFFFE000  }
0x3c: {  	[hbm4b:s26+s2] =	stream.linear.scatter [tilespmem:s18], [sflag:$0x2], $0x2000, $0x38;
	[tilespmem:$0xAC80] =	vst v63  }
0x3d: {  	_ =	swait.ge [sflag:s11], $0x2000  }
0x3e: {  	[sflag:s11] =	ssyncset.done $0x0  }
0x3f: {  	s0 =	sadd.s32 @!p0 $0x400, s30;
	s30 =	simm.s32 @!p0 $0x6C80;
	[sflag:s11] =	ssyncadd.s32 $0xFFFFE000  }
0x40: {  	[tilespmem:s30], [sflag:$0x1] =	stream.indirect.gather @!p0 [hbm4b:s3+s1], $0x40, s0, s1, $0xb8;
	[tilespmem:$0xAC80] =	vst v63  }
0x41: {  	_ =	swait.ge [sflag:s21], $0x2000  }
0x42: {  	[sflag:s21] =	ssyncset.done $0x0  }
.Ltmp2:
0x43: {  	[sflag:s21] =	ssyncadd.s32 $0xFFFFE000;
	(pc) =	sbr.rel @p0 .LBB2_4-.Ltmp2, $4  }
0x44: {  	[hbm4b:s28+s2] =	stream.linear.scatter [tilespmem:s20], [sflag:$0x2], $0x2000, $0x38;
	[tilespmem:$0xAC80] =	vst v63  }
0x45: {  	_ =	swait.ge [sflag:s11], $0x2000  }
0x46: {  	[sflag:s11] =	ssyncset.done $0x0  }
0x47: {  	[sflag:s11] =	ssyncadd.s32 $0xFFFFE000  }
.Ltmp3:
0x48: {  	(pc) =	sbr.rel .LBB2_2-.Ltmp3, $4  }
0x49: {  	s0 =	sshra.s32 s29, $0x2;
	s29 =	sadd.s32 $0xA00, s29  }
0x4a: {  	s28 =	sadd.s32 $0x1400, s28;
	s26 =	sadd.s32 $0x1400, s26;
	s25 =	sadd.s32 $0x1400, s25  }
0x4b: {  	s24 =	sadd.s32 $0x1400, s24;
	s23 =	sadd.s32 $0x1400, s23;
	s0 =	sadd.s32 $0x480, s0  }
0x4c: {  	[tilespmem:s20], [sflag:$0x1] =	stream.indirect.gather [hbm4b:s3+s12], $0x40, s0, s12, $0xb8;
	[tilespmem:$0xAC80] =	vst v63  }
.LBB2_5:
0x4d: {  	_ =	sfence.sel $0x180000  }
0x4e: {  	[bflag:$0x0] =	sbarrier.arrive $0xFFFF  }
0x4f: {  	_ =	strace $0x90000047  }
0x50: {  	s0 =	stileid.u32;
	[bflag:$0x2] =	sbarrier.arrive $0xFFFF  }
0x51: {  	p0 =	sne.s32 s0, $0x0;
	s0 =	rddreg [dreg:$0x1]  }
0x52: {  	s0 =	sadd.s32 @!p0 $0x100000, s0  }
0x53: {  	[sflag:s0] =	ssyncadd.tile.s32 @!p0 $0x1;
	_ =	shalt  }
.Lfunc_end2:
_tile_overlayer_lowered:
.L_overlay_start_2:
0x54: {  	(tag) =	ssettag $0x2  }
0x55: {  	s0 =	rddreg [dreg:$0x0];
	s2 =	stileid.u32  }
0x56: {  	s1 =	rddreg [dreg:$0x1];
	p0 =	sne.s32 s2, $0x0  }
0x57: {  	s3 =	rddreg [dreg:$0x2];
	[bflag:$0x3] =	sbarrier.arrive $0xFFFF;
	s2 =	simm.s32 @!p0 $0x1C02  }
0x58: {  	[timem:s3], [sflag:s2] =	dma.local @!p0 [hbm:s0], s1  }
0x59: {  	s0 =	simm.s32 @!p0 $0x2  }
0x5a: {  	_ =	swait.ge @!p0 [sflag:s0], s1  }
0x5b: {  	s1 =	ssub.s32 @!p0 $0x0, s1;
	[sflag:s0] =	ssyncset.done @!p0 $0x0  }
0x5c: {  	[sflag:s0] =	ssyncadd.s32 @!p0 s1  }
0x5d: {  	[bflag:$0x3] =	sbarrier.arrive $0xFFFF  }
0x5e: {  	_ =	shalt  }

// kernel: kernel.8.cloned.1.call-start
scs
__scs_entry_jumppad:
0x0: {  	(pc) =	sbr.rel $0x88, $3  }
0x1: {  	(tag) =	ssettag $0x0;
	lr =	simm.s32 $0x1  }
0x2: {  	[smem:$0x3F9C] =	sst lr;
	_ =	strace $0xD0000000  }
0x3: {  	_ = 	snop  }
0x4: {  	_ = 	snop  }
0x5: {  	_ = 	snop  }
0x6: {  	_ = 	snop  }
0x7: {  	_ = 	snop  }
__scs_overlays_trampoline_lowered:
0x8: {  	[smem:$0x3FAB] =	sst s0  }
0x9: {  	[smem:$0x3FAC] =	sst s1  }
0xa: {  	[smem:$0x3FAD] =	sst s2  }
0xb: {  	[smem:$0x3FAE] =	sst s3  }
0xc: {  	[smem:$0x3FAF] =	sst s4  }
0xd: {  	[smem:$0x3FB0] =	sst s5  }
0xe: {  	[smem:$0x3FB1] =	sst s6  }
0xf: {  	[smem:$0x3FB2] =	sst s7  }
0x10: {  	[smem:$0x3FB3] =	sst s8  }
0x11: {  	[smem:$0x3FB4] =	sst s9;
	s0 =	simm.s32 @!p0 $0x0  }
0x12: {  	s1 =	sld [smem:$0x3F9A];
	s0 =	simm.s32 @p0 $0x1  }
0x13: {  	[smem:$0x3FB5] =	sst s0;
	s0 =	simm.s32 @!p1 $0x0  }
0x14: {  	s2 =	sld [smem:$0x3F99];
	s0 =	simm.s32 @p1 $0x1  }
0x15: {  	[smem:$0x3FB6] =	sst s0;
	s0 =	simm.s32 @!p2 $0x0  }
0x16: {  	s3 =	sld [smem:$0x3FDB];
	s0 =	simm.s32 @p2 $0x1  }
0x17: {  	s4 =	simm.s32 $0x1BF5;
	[smem:$0x3FB8] =	sst s0  }
0x18: {  	s0 =	sld [smem:$0x3F9B];
	_ =	swait.ge [sflag:s4], $0x0  }
0x19: {  	s7 =	sld [smem:$0x3F9C]  }
0x1a: {  	s8 =	sadd.s32 $0xFFFFE003, lr  }
0x1b: {  	s9 =	sadd.s32 $0xFFFFFEF7, lr;
	s5 =	simm.s32 $0xFFFFFFFF;
	p2 =	slt.u32 s8, $0xFFFFF086  }
0x1c: {  	p1 =	slt.u32 s9, $0xF7A;
	s5 =	simm.s32 @!p2 $0x0  }
0x1d: {  	s5 =	simm.s32 @p1 $0x1;
	p0 =	seq.s32 s7, s2  }
0x1e: {  	s7 =	smul.u32 @!p0 $0xF7A, s2;
	p2 =	seq.s32 @!p0 s5, $0x0  }
0x1f: {  	s9 =	smul.u32 $0xF7A, s1;
	s8 =	simm.s32 @!p0 $0x1BF5;
	p2 =	por !p2, p0  }
0x20: {  	[sflag:s8] =	ssyncset.s32 @!p0 $0xFFFFF086;
	s6 =	sadd.s32 @!p0 s3, s7;
	s7 =	simm.s32 @!p0 $0x108  }
0x21: {  	s3 =	sadd.s32 s3, s9;
	s6 =	sadd.s32 @!p0 $0x88, s6;
	s7 =	simm.s32 @p2 $0x1082  }
0x22: {  	[simem:s7], [sflag:s8] =	dma.local @!p0 [hbm:s6], $0xF7A  }
0x23: {  	s9 =	sor.u32 $0xD0000000, s2;
	s6 =	simm.s32 $0x108;
	_ =	swait.ge @!p0 [sflag:s8], $0x0  }
0x24: {  	s3 =	sadd.s32 $0x88, s3;
	s6 =	simm.s32 @!p1 $0x1082;
	[sflag:s4] =	ssyncset.s32 $0xFFFFF086  }
0x25: {  	[simem:s6], [sflag:s4] =	dma.local [hbm:s3], $0xF7A  }
0x26: {  	[smem:$0x3F9C] =	sst s1;
	(tag) =	ssettag s2;
	_ =	strace s9  }
0x27: {  	s1 =	sld [smem:$0x3FAC]  }
0x28: {  	s2 =	sld [smem:$0x3FAD]  }
0x29: {  	s4 =	sld [smem:$0x3FAF]  }
0x2a: {  	p0 =	seq.s32 s5, $0x0;
	s5 =	sld [smem:$0x3FB0]  }
0x2b: {  	s6 =	sld [smem:$0x3FB1]  }
0x2c: {  	s7 =	sld [smem:$0x3FB2]  }
0x2d: {  	s3 =	simm.s32 $0x108;
	s8 =	sld [smem:$0x3FB3]  }
0x2e: {  	s3 =	simm.s32 @!p0 $0x1082;
	s9 =	sld [smem:$0x3FB4]  }
0x2f: {  	lr =	sadd.s32 s0, s3;
	s0 =	sld [smem:$0x3FAB]  }
0x30: {  	s3 =	sld [smem:$0x3FAE]  }
0x31: {  	[smem:$0x3FB7] =	sst s10  }
0x32: {  	s10 =	sld [smem:$0x3FB5];
	_ =	sdelay $0x3  }
0x33: {  	p0 =	seq.s32 s10, $0x1;
	s10 =	sld [smem:$0x3FB7];
	_ =	sdelay $0x3  }
0x34: {  	[smem:$0x3FB7] =	sst s10  }
0x35: {  	s10 =	sld [smem:$0x3FB6];
	_ =	sdelay $0x3  }
0x36: {  	p1 =	seq.s32 s10, $0x1;
	s10 =	sld [smem:$0x3FB7];
	_ =	sdelay $0x3  }
0x37: {  	[smem:$0x3FB7] =	sst s10  }
0x38: {  	s10 =	sld [smem:$0x3FB8]  }
0x39: {  	_ = 	snop;
	(pc) =	sbr.ind lr, $3  }
0x3a: {  	_ = 	snop  }
0x3b: {  	_ = 	snop  }
0x3c: {  	p2 =	seq.s32 s10, $0x1;
	s10 =	sld [smem:$0x3FB7]  }
0x3d: {  	_ =	shalt  }
0x3e: {  	_ =	shalt  }
0x3f: {  	_ =	shalt  }
0x40: {  	_ =	shalt  }
0x41: {  	_ =	shalt  }
0x42: {  	_ =	shalt  }
0x43: {  	_ =	shalt  }
0x44: {  	_ =	shalt  }
0x45: {  	_ =	shalt  }
0x46: {  	_ =	shalt  }
0x47: {  	_ =	shalt  }
0x48: {  	_ =	shalt  }
0x49: {  	_ =	shalt  }
0x4a: {  	_ =	shalt  }
0x4b: {  	_ =	shalt  }
0x4c: {  	_ =	shalt  }
0x4d: {  	_ =	shalt  }
0x4e: {  	_ =	shalt  }
0x4f: {  	_ =	shalt  }
0x50: {  	_ =	shalt  }
0x51: {  	_ =	shalt  }
0x52: {  	_ =	shalt  }
0x53: {  	_ =	shalt  }
0x54: {  	_ =	shalt  }
0x55: {  	_ =	shalt  }
0x56: {  	_ =	shalt  }
0x57: {  	_ =	shalt  }
0x58: {  	_ =	shalt  }
0x59: {  	_ =	shalt  }
0x5a: {  	_ =	shalt  }
0x5b: {  	_ =	shalt  }
0x5c: {  	_ =	shalt  }
0x5d: {  	_ =	shalt  }
0x5e: {  	_ =	shalt  }
0x5f: {  	_ =	shalt  }
0x60: {  	_ =	shalt  }
0x61: {  	_ =	shalt  }
0x62: {  	_ =	shalt  }
0x63: {  	_ =	shalt  }
0x64: {  	_ =	shalt  }
0x65: {  	_ =	shalt  }
0x66: {  	_ =	shalt  }
0x67: {  	_ =	shalt  }
0x68: {  	_ =	shalt  }
0x69: {  	_ =	shalt  }
0x6a: {  	_ =	shalt  }
0x6b: {  	_ =	shalt  }
0x6c: {  	_ =	shalt  }
0x6d: {  	_ =	shalt  }
0x6e: {  	_ =	shalt  }
0x6f: {  	_ =	shalt  }
0x70: {  	_ =	shalt  }
0x71: {  	_ =	shalt  }
0x72: {  	_ =	shalt  }
0x73: {  	_ =	shalt  }
0x74: {  	_ =	shalt  }
0x75: {  	_ =	shalt  }
0x76: {  	_ =	shalt  }
0x77: {  	_ =	shalt  }
0x78: {  	_ =	shalt  }
0x79: {  	_ =	shalt  }
0x7a: {  	_ =	shalt  }
0x7b: {  	_ =	shalt  }
0x7c: {  	_ =	shalt  }
0x7d: {  	_ =	shalt  }
0x7e: {  	_ =	shalt  }
0x7f: {  	_ =	shalt  }
0x80: {  	_ =	shalt  }
0x81: {  	_ =	shalt  }
0x82: {  	_ =	shalt  }
0x83: {  	_ =	shalt  }
0x84: {  	_ =	shalt  }
0x85: {  	_ =	shalt  }
0x86: {  	_ =	shalt  }
0x87: {  	_ =	shalt  }
.Lfunc_end0:
.L_simem_size_0:
called_computation.1_lowered:
.L_overlay_start_0:
0x88: {  	s2 =	sld [smem:$0x3FD9]  }
0x89: {  	s3 =	sld [smem:$0x3FFE];
	_ =	sdelay $0x1  }
0x8a: {  	s1 =	srdreg.scid  }
0x8b: {  	s0 =	sand.u32 $0x1, s1  }
0x8c: {  	s17 =	sshll.u32 s0, $0xA;
	s2 =	sadd.s32 s3, s2  }
0x8d: {  	s2 =	sadd.s32 s2, s17  }
0x8e: {  	[smem:$0x3FC3] =	sst s2  }
0x8f: {  	_ = 	snop  }
0x90: {  	(tm) =	ssettm $0x1  }
0x91: {  	s18 =	sld [smem:$0x3FFB];
	_ =	sdelay $0x3  }
0x92: {  	_ =	strace s18  }
0x93: {  	s2 =	sld [smem:$0x3FFC];
	_ =	sdelay $0x3  }
0x94: {  	_ =	strace s2  }
0x95: {  	s2 =	sld [smem:$0x3FFD];
	_ =	sdelay $0x3  }
0x96: {  	_ =	strace s2  }
0x97: {  	_ =	strace $0x8FFFFFFF  }
0x98: {  	s19 =	sld [smem:$0x3FDB];
	_ =	sdelay $0x1  }
0x99: {  	s20 =	simm.s32 $_scs_section_size  }
0x9a: {  	s4 =	simm.s32 $_size__tile_overlayer_lowered;
	s5 =	simm.s32 $_tile_overlayer_lowered  }
0x9b: {  	s6 =	simm.s32 $0x1BFF;
	s21 =	sshll.u32 s5, $0x1;
	s3 =	sadd.s32 s20, s19  }
0x9c: {  	s22 =	simm.s32 $0x0;
	s4 =	sshll.u32 s4, $0x1;
	s5 =	sadd.s32 s21, s3  }
0x9d: {  	[timem:s22], [sflag:s6] =	dma.local [hbm:s5], s4  }
0x9e: {  	_ =	swait.ge [sflag:s6], s4  }
0x9f: {  	s4 =	ssub.s32 $0x0, s4;
	[sflag:s6] =	ssyncset.done $0x0  }
0xa0: {  	[sflag:s6] =	ssyncadd.s32 s4;
	_ =	sdelay $0x1  }
0xa1: {  	s23 =	simm.s32 $0x1B8B  }
0xa2: {  	_ =	swait.ge [sflag:s23], $0x1  }
0xa3: {  	[sflag:s23] =	ssyncset.done $0x0  }
0xa4: {  	[sflag:s23] =	ssyncadd.s32 $0xFFFFFFFF  }
0xa5: {  	s4 =	sld [smem:$0x0]  }
0xa6: {  	s5 =	sand.u32 $0xFFFFFFFE, s1  }
0xa7: {  	p0 =	sne.s32 s1, s5  }
0xa8: {  	s5 =	sshll.u32 @p0 s5, $0xE  }
0xa9: {  	s5 =	sadd.s32 @p0 $0x11B8D, s5;
	s6 =	sshll.u32 @p0 s4, $0x11  }
0xaa: {  	s5 =	sor.u32 @p0 s6, s5  }
0xab: {  	[sflag:s5] =	ssyncadd.remote.s32 @p0 $0x1;
	_ =	sdelay $0x1  }
0xac: {  	s5 =	simm.s32 @p0 $0x1B8D  }
0xad: {  	_ =	swait.eq @p0 [sflag:s5], $0x1  }
0xae: {  	[sflag:s5] =	ssyncadd.s32 @p0 $0xFFFFFFFF  }
0xaf: {  	s6 =	sshll.u32 @!p0 s1, $0xE  }
0xb0: {  	s6 =	sor.u32 @!p0 $0x4000, s6;
	s5 =	simm.s32 @!p0 $0x1B8D  }
0xb1: {  	s4 =	sshll.u32 @!p0 s4, $0x11;
	s6 =	sadd.s32 @!p0 $0x11B8D, s6;
	_ =	swait.eq @!p0 [sflag:s5], $0x1  }
0xb2: {  	s4 =	sor.u32 @!p0 s4, s6;
	[sflag:s5] =	ssyncadd.s32 @!p0 $0xFFFFFFFF  }
0xb3: {  	s25 =	simm.s32 $0x1B8E;
	s24 =	sld [smem:$0x3FFE];
	[sflag:s4] =	ssyncadd.remote.s32 @!p0 $0x1  }
0xb4: {  	s26 =	simm.s32 $execute0_lowered;
	[smem:$0x3FD2] =	sst s25  }
0xb5: {  	s5 =	sshll.u32 s26, $0x1;
	_ =	strace $0x80000049;
	[dreg:$0x1] =	wrdreg $0xFFFFFFFF  }
0xb6: {  	s28 =	simm.s32 $_size_execute0_lowered;
	s3 =	sadd.s32 s3, s5;
	[dreg:$0x0] =	wrdreg $0x0  }
0xb7: {  	s5 =	sshll.u32 s28, $0x1;
	[dreg:$0x2] =	wrdreg s3  }
0xb8: {  	[dreg:$0x3] =	wrdreg s5  }
0xb9: {  	[dreg:$0x4] =	wrdreg $0xC0  }
0xba: {  	_ =	task [dreg:s22], $0x5FFFF  }
0xbb: {  	[dreg:$0x1] =	wrdreg $0xFFFFFFFF  }
0xbc: {  	[dreg:$0x0] =	wrdreg $0x60  }
0xbd: {  	[dreg:$0x2] =	wrdreg s24  }
0xbe: {  	[dreg:$0x3] =	wrdreg $0xA  }
0xbf: {  	_ =	task.clear_ibuf [dreg:s22], $0x4FFFF;
	_ =	strace $0x90000049  }
0xc0: {  	s29 =	simm.s32 $0xA;
	_ =	strace $0x8000004B  }
0xc1: {  	_ =	swait.ge [sflag:s29], $0x1  }
0xc2: {  	[sflag:s29] =	ssyncadd.s32 $0xFFFFFFFF  }
0xc3: {  	_ =	strace $0x9000004B  }
0xc4: {  	_ =	sfence  }
0xc5: {  	s30 =	sld [smem:$0x0];
	_ =	sdelay $0x2  }
0xc6: {  	s31 =	sshll.u32 s1, $0xD;
	s1 =	sshrl.u32 s1, $0x2  }
0xc7: {  	s4 =	sand.u32 $0x4000, s31;
	s1 =	sadd.s32 s1, s30  }
0xc8: {  	s0 =	sor.u32 s4, s0;
	s1 =	sshll.u32 s1, $0x11  }
0xc9: {  	s0 =	sor.u32 s1, s0  }
0xca: {  	s0 =	sadd.s32 $0x8F2B, s0  }
0xcb: {  	[sflag:s0] =	ssyncadd.remote.s32 $0x1  }
0xcc: {  	_ =	sfence.sel $0xFFFF  }
0xcd: {  	[dreg:$0x0] =	wrdreg $0xFFFFFFFF;
	(pc) =	sbr.abs _section_cstart, $3  }
0xce: {  	[dreg:$0x1] =	wrdreg $0xFFFFFFFF  }
0xcf: {  	_ =	task.clear_ibuf [dreg:s22], $0x2FFFF;
	_ =	strace $0x9FFFFFFF  }
0xd0: {  	(tm) =	ssettm $0x7FFFFFFF  }
0xd1: {  	_ =	shalt  }
tec
execute0_lowered:
.L_overlay_start_1:
0x0: {  	(tag) =	ssettag $0x1  }
0x1: {  	s1 =	srdreg.scid;
	s0 =	stileid.u32  }
0x2: {  	s4 =	rddreg [dreg:$0x0];
	s2 =	simm.s32 $0x0;
	s13 =	simm.s32 $0xC80  }
0x3: {  	s14 =	simm.s32 $0x2C80;
	s15 =	simm.s32 $0x100;
	s16 =	simm.s32 $0x4C80  }
0x4: {  	s17 =	simm.s32 $0x180;
	s18 =	simm.s32 $0x6C80;
	s19 =	simm.s32 $0x200  }
0x5: {  	s20 =	simm.s32 $0x8C80;
	s21 =	simm.s32 $0x1;
	s7 =	smul.u32 $0x32, s0  }
0x6: {  	s22 =	simm.s32 $0x0;
	s6 =	sand.u32 $0x1, s1;
	s30 =	smul.u32 $0xC800, s0  }
0x7: {  	s29 =	sshll.u32 s0, $0x1;
	[smem:$0x7FF] =	sst s2;
	s9 =	smul.u32 $0x19, s6  }
0x8: {  	s11 =	sadd.s32 $0x870200, s4;
	s3 =	sor.u32 s6, s29;
	s12 =	smul.u32 $0x6400, s6  }
0x9: {  	_ =	strace $0x8000004A;
	s8 =	ssub.s32 $0x2, s6;
	s5 =	smul.u32 $0x190, s3  }
0xa: {  	s3 =	sadd.s32 $0xCBE00, s4;
	s10 =	sshrl.u32 s8, $0x1;
	s7 =	sadd.s32 s9, s7  }
.Ltmp0:
0xb: {  	s5 =	sadd.s32 s5, s4;
	s7 =	sshll.u32 s7, $0xA;
	(pc) =	sbr.rel .LBB2_1-.Ltmp0, $4  }
0xc: {  	s8 =	ssub.s32 s8, s10;
	s4 =	sadd.s32 $0x86D000, s5;
	s31 =	sadd.s32 s11, s7  }
0xd: {  	s5 =	smax.u32 s8, $0x1;
	s11 =	sadd.s32 s30, s11;
	s6 =	sadd.s32 $0x1000, s31  }
0xe: {  	s7 =	sadd.s32 $0xC00, s31;
	s8 =	sadd.s32 $0x800, s31;
	s9 =	sadd.s32 $0x400, s31  }
0xf: {  	s10 =	sadd.s32 s12, s11;
	s11 =	simm.s32 $0x2;
	s12 =	simm.s32 $0x80  }
.LBB2_4:
0x10: {  	s22 =	sadd.s32 $0x1, s22  }
0x11: {  	p0 =	sne.s32 s22, s5  }
.Ltmp1:
0x12: {  	_ = 	snop;
	(pc) =	sbr.rel @!p0 .LBB2_5-.Ltmp1, $1  }
0x13: {  	_ =	sdelay $0x3  }
.LBB2_1:
0x14: {  	[tilespmem:s2], [sflag:$0x2] =	stream.linear.gather [hbm4b:s4+s2], $0xC80, $0x38;
	[tilespmem:$0xAC80] =	vst v63  }
0x15: {  	_ =	swait.ge [sflag:s11], $0xC80  }
0x16: {  	[sflag:s11] =	ssyncset.done $0x0  }
0x17: {  	[sflag:s11] =	ssyncadd.s32 $0xFFFFF380  }
0x18: {  	[tilespmem:s13], [sflag:$0x1] =	stream.indirect.gather [hbm4b:s3+s12], $0x40, s2, s12, $0xb8;
	[tilespmem:$0xAC80] =	vst v63  }
0x19: {  	_ = 	snop  }
0x1a: {  	[tilespmem:s14], [sflag:$0x1] =	stream.indirect.gather [hbm4b:s3+s12], $0x40, s12, s12, $0xb8;
	[tilespmem:$0xAC80] =	vst v63  }
0x1b: {  	_ = 	snop  }
0x1c: {  	[tilespmem:s16], [sflag:$0x1] =	stream.indirect.gather [hbm4b:s3+s12], $0x40, s15, s12, $0xb8;
	[tilespmem:$0xAC80] =	vst v63  }
0x1d: {  	s23 =	smov.u32 s10;
	s24 =	smov.u32 s9;
	s25 =	smov.u32 s8  }
0x1e: {  	[tilespmem:s18], [sflag:$0x1] =	stream.indirect.gather [hbm4b:s3+s12], $0x40, s17, s12, $0xb8;
	[tilespmem:$0xAC80] =	vst v63  }
0x1f: {  	s26 =	smov.u32 s7;
	s28 =	smov.u32 s6;
	s29 =	simm.s32 $0x0  }
0x20: {  	[tilespmem:s20], [sflag:$0x1] =	stream.indirect.gather [hbm4b:s3+s12], $0x40, s19, s12, $0xb8;
	[tilespmem:$0xAC80] =	vst v63  }
.LBB2_2:
0x21: {  	_ =	swait.ge [sflag:s21], $0x2000  }
0x22: {  	[sflag:s21] =	ssyncset.done $0x0  }
0x23: {  	[sflag:s21] =	ssyncadd.s32 $0xFFFFE000  }
0x24: {  	[hbm4b:s23+s2] =	stream.linear.scatter [tilespmem:s13], [sflag:$0x2], $0x2000, $0x38;
	[tilespmem:$0xAC80] =	vst v63  }
0x25: {  	p0 =	seq.s32 s29, $0x2800;
	_ =	swait.ge [sflag:s11], $0x2000  }
0x26: {  	s30 =	sshra.s32 @!p0 s29, $0x2;
	s1 =	simm.s32 @!p0 $0x80;
	[sflag:s11] =	ssyncset.done $0x0  }
0x27: {  	s0 =	simm.s32 @!p0 $0xC80;
	s31 =	sadd.s32 @!p0 $0x280, s30;
	[sflag:s11] =	ssyncadd.s32 $0xFFFFE000  }
0x28: {  	[tilespmem:s0], [sflag:$0x1] =	stream.indirect.gather @!p0 [hbm4b:s3+s1], $0x40, s31, s1, $0xb8;
	[tilespmem:$0xAC80] =	vst v63  }
0x29: {  	_ =	swait.ge [sflag:s21], $0x2000  }
0x2a: {  	[sflag:s21] =	ssyncset.done $0x0  }
0x2b: {  	[sflag:s21] =	ssyncadd.s32 $0xFFFFE000  }
0x2c: {  	[hbm4b:s24+s2] =	stream.linear.scatter [tilespmem:s14], [sflag:$0x2], $0x2000, $0x38;
	[tilespmem:$0xAC80] =	vst v63  }
0x2d: {  	_ =	swait.ge [sflag:s11], $0x2000  }
0x2e: {  	[sflag:s11] =	ssyncset.done $0x0  }
0x2f: {  	s0 =	sadd.s32 @!p0 $0x300, s30;
	s31 =	simm.s32 @!p0 $0x2C80;
	[sflag:s11] =	ssyncadd.s32 $0xFFFFE000  }
0x30: {  	[tilespmem:s31], [sflag:$0x1] =	stream.indirect.gather @!p0 [hbm4b:s3+s1], $0x40, s0, s1, $0xb8;
	[tilespmem:$0xAC80] =	vst v63  }
0x31: {  	_ =	swait.ge [sflag:s21], $0x2000  }
0x32: {  	[sflag:s21] =	ssyncset.done $0x0  }
0x33: {  	[sflag:s21] =	ssyncadd.s32 $0xFFFFE000  }
0x34: {  	[hbm4b:s25+s2] =	stream.linear.scatter [tilespmem:s16], [sflag:$0x2], $0x2000, $0x38;
	[tilespmem:$0xAC80] =	vst v63  }
0x35: {  	_ =	swait.ge [sflag:s11], $0x2000  }
0x36: {  	[sflag:s11] =	ssyncset.done $0x0  }
0x37: {  	s0 =	sadd.s32 @!p0 $0x380, s30;
	s31 =	simm.s32 @!p0 $0x4C80;
	[sflag:s11] =	ssyncadd.s32 $0xFFFFE000  }
0x38: {  	[tilespmem:s31], [sflag:$0x1] =	stream.indirect.gather @!p0 [hbm4b:s3+s1], $0x40, s0, s1, $0xb8;
	[tilespmem:$0xAC80] =	vst v63  }
0x39: {  	_ =	swait.ge [sflag:s21], $0x2000  }
0x3a: {  	[sflag:s21] =	ssyncset.done $0x0  }
0x3b: {  	[sflag:s21] =	ssyncadd.s32 $0xFFFFE000  }
0x3c: {  	[hbm4b:s26+s2] =	stream.linear.scatter [tilespmem:s18], [sflag:$0x2], $0x2000, $0x38;
	[tilespmem:$0xAC80] =	vst v63  }
0x3d: {  	_ =	swait.ge [sflag:s11], $0x2000  }
0x3e: {  	[sflag:s11] =	ssyncset.done $0x0  }
0x3f: {  	s0 =	sadd.s32 @!p0 $0x400, s30;
	s30 =	simm.s32 @!p0 $0x6C80;
	[sflag:s11] =	ssyncadd.s32 $0xFFFFE000  }
0x40: {  	[tilespmem:s30], [sflag:$0x1] =	stream.indirect.gather @!p0 [hbm4b:s3+s1], $0x40, s0, s1, $0xb8;
	[tilespmem:$0xAC80] =	vst v63  }
0x41: {  	_ =	swait.ge [sflag:s21], $0x2000  }
0x42: {  	[sflag:s21] =	ssyncset.done $0x0  }
.Ltmp2:
0x43: {  	[sflag:s21] =	ssyncadd.s32 $0xFFFFE000;
	(pc) =	sbr.rel @p0 .LBB2_4-.Ltmp2, $4  }
0x44: {  	[hbm4b:s28+s2] =	stream.linear.scatter [tilespmem:s20], [sflag:$0x2], $0x2000, $0x38;
	[tilespmem:$0xAC80] =	vst v63  }
0x45: {  	_ =	swait.ge [sflag:s11], $0x2000  }
0x46: {  	[sflag:s11] =	ssyncset.done $0x0  }
0x47: {  	[sflag:s11] =	ssyncadd.s32 $0xFFFFE000  }
.Ltmp3:
0x48: {  	(pc) =	sbr.rel .LBB2_2-.Ltmp3, $4  }
0x49: {  	s0 =	sshra.s32 s29, $0x2;
	s29 =	sadd.s32 $0xA00, s29  }
0x4a: {  	s28 =	sadd.s32 $0x1400, s28;
	s26 =	sadd.s32 $0x1400, s26;
	s25 =	sadd.s32 $0x1400, s25  }
0x4b: {  	s24 =	sadd.s32 $0x1400, s24;
	s23 =	sadd.s32 $0x1400, s23;
	s0 =	sadd.s32 $0x480, s0  }
0x4c: {  	[tilespmem:s20], [sflag:$0x1] =	stream.indirect.gather [hbm4b:s3+s12], $0x40, s0, s12, $0xb8;
	[tilespmem:$0xAC80] =	vst v63  }
.LBB2_5:
0x4d: {  	_ =	sfence.sel $0x180000  }
0x4e: {  	[bflag:$0x0] =	sbarrier.arrive $0xFFFF  }
0x4f: {  	_ =	strace $0x9000004A  }
0x50: {  	s0 =	stileid.u32;
	[bflag:$0x2] =	sbarrier.arrive $0xFFFF  }
0x51: {  	p0 =	sne.s32 s0, $0x0;
	s0 =	rddreg [dreg:$0x1]  }
0x52: {  	s0 =	sadd.s32 @!p0 $0x100000, s0  }
0x53: {  	[sflag:s0] =	ssyncadd.tile.s32 @!p0 $0x1;
	_ =	shalt  }
.Lfunc_end2:
_tile_overlayer_lowered:
.L_overlay_start_2:
0x54: {  	(tag) =	ssettag $0x2  }
0x55: {  	s0 =	rddreg [dreg:$0x0];
	s2 =	stileid.u32  }
0x56: {  	s1 =	rddreg [dreg:$0x1];
	p0 =	sne.s32 s2, $0x0  }
0x57: {  	s3 =	rddreg [dreg:$0x2];
	[bflag:$0x3] =	sbarrier.arrive $0xFFFF;
	s2 =	simm.s32 @!p0 $0x1C02  }
0x58: {  	[timem:s3], [sflag:s2] =	dma.local @!p0 [hbm:s0], s1  }
0x59: {  	s0 =	simm.s32 @!p0 $0x2  }
0x5a: {  	_ =	swait.ge @!p0 [sflag:s0], s1  }
0x5b: {  	s1 =	ssub.s32 @!p0 $0x0, s1;
	[sflag:s0] =	ssyncset.done @!p0 $0x0  }
0x5c: {  	[sflag:s0] =	ssyncadd.s32 @!p0 s1  }
0x5d: {  	[bflag:$0x3] =	sbarrier.arrive $0xFFFF  }
0x5e: {  	_ =	shalt  }

</sc_bundles>
